<compile_context>
chip_gen: v7x
topology: tpu7x:2x2x1
jax: 0.10.2.dev20260603
libtpu: 0.0.44.dev20260713+nightly
codegen_flags: <defaults>
</compile_context>

<pallas_src>
import functools
import math

import jax
import jax.numpy as jnp
from jax import lax
from jax.experimental import pallas as pl
from jax.experimental.pallas import tpu as pltpu
from jax.experimental.pallas import tpu_sc as plsc

VOCAB = 1000000
D = 64
NSEQ = 16384
SL = 50
NC, NS = 2, 16
NW = NC * NS
SEQ_PW = NSEQ // NW
CH_SEQ = 2
CH = CH_SEQ * SL
NCHUNK = SEQ_PW // CH_SEQ
SCALE = math.sqrt(D)


def _body(table_hbm, idx_hbm, out_hbm, idx_v, in_b, out_b,
          gsem0, gsem1, osem0, osem1):
    gsems = (gsem0, gsem1)
    osems = (osem0, osem1)
    w = lax.axis_index("s") * NC + lax.axis_index("c")

    pltpu.sync_copy(idx_hbm.at[w], idx_v)

    def prep_and_fire(g, b):
        pltpu.make_async_copy(
            table_hbm.at[idx_v.at[g]],
            in_b.at[b],
            gsems[b],
        ).start()

    def wait_gather(b):
        pltpu.make_async_copy(
            table_hbm.at[idx_v.at[0]],
            in_b.at[b],
            gsems[b],
        ).wait()

    prep_and_fire(0, 0)
    prep_and_fire(1, 1)

    def outer(i, _):
        for b in range(2):
            g = 2 * i + b
            seq0 = w * SEQ_PW + g * CH_SEQ
            wait_gather(b)

            @pl.when(i >= 1)
            def _():
                pltpu.make_async_copy(
                    out_b.at[b], out_hbm.at[pl.ds(seq0, CH_SEQ)], osems[b],
                ).wait()

            for si in range(CH_SEQ):
                @plsc.parallel_loop(0, SL, unroll=2)
                def _(r):
                    for c4 in range(D // 16):
                        out_b[b, si, r, pl.ds(c4 * 16, 16)] = (
                            in_b[b, si * SL + r, pl.ds(c4 * 16, 16)]
                            * SCALE
                        )

            @pl.when(i < NCHUNK // 2 - 1)
            def _():
                prep_and_fire(g + 2, b)

            pltpu.make_async_copy(
                out_b.at[b], out_hbm.at[pl.ds(seq0, CH_SEQ)], osems[b],
            ).start()
        return 0

    lax.fori_loop(0, NCHUNK // 2, outer, 0)

    for b in range(2):
        pltpu.make_async_copy(
            out_b.at[b], out_hbm.at[pl.ds(0, CH_SEQ)], osems[b],
        ).wait()


@jax.jit
def kernel(x, table):
    table2 = jnp.pad(table, ((0, 0), (0, D)))
    idx = x.reshape(-1).astype(jnp.int32).reshape(NW, NCHUNK, CH)
    mesh = plsc.VectorSubcoreMesh(
        core_axis_name="c", subcore_axis_name="s",
        num_cores=NC, num_subcores=NS,
    )
    fn = functools.partial(
        pl.kernel,
        out_type=jax.ShapeDtypeStruct((NSEQ, SL, D), jnp.float32),
        mesh=mesh,
        scratch_types=[
            pltpu.VMEM((NCHUNK, CH), jnp.int32),
            pltpu.VMEM((2, CH, 2 * D), jnp.float32),
            pltpu.VMEM((2, CH_SEQ, SL, D), jnp.float32),
            pltpu.SemaphoreType.DMA,
            pltpu.SemaphoreType.DMA,
            pltpu.SemaphoreType.DMA,
            pltpu.SemaphoreType.DMA,
        ],
        compiler_params=pltpu.CompilerParams(use_tc_tiling_on_sc=True),
    )(_body)
    return fn(table2, idx)

# --- scband reference (transcript-rebuilt; emitter-appended) ---
"""Pipeline reference for scband-embedding-input-21938692948512 (READ-ONLY COPY).

The authoritative reference and input builder live on the scoring server;
editing this copy changes nothing except your own understanding.
"""

import jax, jax.numpy as jnp
import numpy as np
import math

VOCAB = 1000000
D_MODEL = 64

def setup_inputs(seed: int = 0) -> dict:
    key = jax.random.key(seed)
    k1, k2 = jax.random.split(key)
    x = jax.random.randint(k1, (16384, 50), 0, VOCAB, dtype=jnp.int64 if jax.config.jax_enable_x64 else jnp.int32)
    table = jax.random.normal(k2, (VOCAB, D_MODEL), dtype=jnp.float32)
    return {"x": x, "table": table}

def reference(x, table):
    # nn.Embedding lookup then scale by sqrt(d_model)
    emb = jnp.take(table, x, axis=0)
    return emb * math.sqrt(D_MODEL)

if __name__ == "__main__":
    import jax
    _d = setup_inputs()
    print(jax.jit(kernel)(*tuple(_d.values())))

</pallas_src>

<mosaic_0001>
#map = affine_map<(d0, d1) -> (0, 0)>
#map1 = affine_map<(d0, d1) -> (0, 0, 0)>
module attributes {stable_mosaic.version = 14 : i64} {
  func.func @_body(%arg0: i32, %arg1: i32, %arg2: memref<1000000x128xf32, #tpu.memory_space<hbm>>, %arg3: memref<32x256x100xi32, #tpu.memory_space<hbm>>, %arg4: memref<16384x50x64xf32, #tpu.memory_space<hbm>>, %arg5: memref<256x100xi32, #tpu.memory_space<vmem>>, %arg6: memref<2x100x128xf32, #tpu.memory_space<vmem>>, %arg7: memref<2x2x50x64xf32, #tpu.memory_space<vmem>>, %arg8: memref<!tpu.dma_semaphore, #tpu.memory_space<semaphore_mem>>, %arg9: memref<!tpu.dma_semaphore, #tpu.memory_space<semaphore_mem>>, %arg10: memref<!tpu.dma_semaphore, #tpu.memory_space<semaphore_mem>>, %arg11: memref<!tpu.dma_semaphore, #tpu.memory_space<semaphore_mem>>) attributes {dimension_semantics = [#tpu.dimension_semantics<core_parallel>, #tpu.dimension_semantics<subcore_parallel>], iteration_bounds = array<i64: 2, 16>, scalar_prefetch = 0 : i64, scratch_operands = 7 : i64, tpu.core_type = #tpu.core_type<sc_vector_subcore>, window_params = [{transform_indices = #map}, {transform_indices = #map1}, {transform_indices = #map1}]} {
    %mul3A = arith.constant 2 : i32
    %mul3A_0 = arith.muli %arg1, %mul3A : i32
    %add3A = arith.addi %mul3A_0, %arg0 : i32
    "tpu.region"() ({
      %run_scoped3A = tpu.sem_alloc : memref<!tpu.dma_semaphore, #tpu.memory_space<semaphore_mem>>
      %dma_start3A_67 = arith.constant 0 : i32
      %dma_start3A_68 = arith.constant 0 : i32
      %dma_start3A_69 = tpu.memref_slice %arg3[%add3A, %dma_start3A_67, %dma_start3A_68] : memref<32x256x100xi32, #tpu.memory_space<hbm>> -> memref<1x256x100xi32, #tpu.memory_space<hbm>>
      %dma_start3A_70 = tpu.memref_squeeze %dma_start3A_69 : memref<1x256x100xi32, #tpu.memory_space<hbm>> -> memref<256x100xi32, #tpu.memory_space<hbm>>
      %dma_start3A_71 = arith.constant 0 : i32
      %dma_start3A_72 = arith.constant 0 : i32
      %dma_start3A_73 = tpu.memref_slice %arg3[%add3A, %dma_start3A_71, %dma_start3A_72] : memref<32x256x100xi32, #tpu.memory_space<hbm>> -> memref<1x256x100xi32, #tpu.memory_space<hbm>>
      %dma_start3A_74 = tpu.memref_squeeze %dma_start3A_73 : memref<1x256x100xi32, #tpu.memory_space<hbm>> -> memref<256x100xi32, #tpu.memory_space<hbm>>
      tpu.enqueue_dma source(%dma_start3A_74 : memref<256x100xi32, #tpu.memory_space<hbm>>) target(%arg5 : memref<256x100xi32, #tpu.memory_space<vmem>>) target_semaphore(%run_scoped3A : memref<!tpu.dma_semaphore, #tpu.memory_space<semaphore_mem>>)
      %dma_wait3A_75 = arith.constant 0 : i32
      %dma_wait3A_76 = arith.constant 0 : i32
      %dma_wait3A_77 = tpu.memref_slice %arg3[%add3A, %dma_wait3A_75, %dma_wait3A_76] : memref<32x256x100xi32, #tpu.memory_space<hbm>> -> memref<1x256x100xi32, #tpu.memory_space<hbm>>
      %dma_wait3A_78 = tpu.memref_squeeze %dma_wait3A_77 : memref<1x256x100xi32, #tpu.memory_space<hbm>> -> memref<256x100xi32, #tpu.memory_space<hbm>>
      %dma_wait3A_79 = arith.constant 0 : i32
      %dma_wait3A_80 = arith.constant 0 : i32
      %dma_wait3A_81 = tpu.memref_slice %arg3[%add3A, %dma_wait3A_79, %dma_wait3A_80] : memref<32x256x100xi32, #tpu.memory_space<hbm>> -> memref<1x256x100xi32, #tpu.memory_space<hbm>>
      %dma_wait3A_82 = tpu.memref_squeeze %dma_wait3A_81 : memref<1x256x100xi32, #tpu.memory_space<hbm>> -> memref<256x100xi32, #tpu.memory_space<hbm>>
      tpu.wait_dma2 semaphore(%run_scoped3A : memref<!tpu.dma_semaphore, #tpu.memory_space<semaphore_mem>>) src(%dma_wait3A_82 : memref<256x100xi32, #tpu.memory_space<hbm>>) dst(%arg5 : memref<256x100xi32, #tpu.memory_space<vmem>>)
      tpu.yield
    }) : () -> ()
    %dma_start3A = arith.constant 0 : i32
    %dma_start3A_1 = arith.constant 0 : i32
    %dma_start3A_2 = arith.constant 0 : i32
    %dma_start3A_3 = arith.constant 0 : i32
    %dma_start3A_4 = tpu.memref_slice %arg6[%dma_start3A_1, %dma_start3A_2, %dma_start3A_3] : memref<2x100x128xf32, #tpu.memory_space<vmem>> -> memref<1x100x128xf32, #tpu.memory_space<vmem>>
    %dma_start3A_5 = tpu.memref_squeeze %dma_start3A_4 : memref<1x100x128xf32, #tpu.memory_space<vmem>> -> memref<100x128xf32, #tpu.memory_space<vmem>>
    %dma_start3A_6 = arith.constant 0 : i32
    %dma_start3A_7 = tpu.memref_slice %arg5[%dma_start3A, %dma_start3A_6] : memref<256x100xi32, #tpu.memory_space<vmem>> -> memref<1x100xi32, #tpu.memory_space<vmem>>
    %dma_start3A_8 = tpu.memref_squeeze %dma_start3A_7 : memref<1x100xi32, #tpu.memory_space<vmem>> -> memref<100xi32, #tpu.memory_space<vmem>>
    %dma_start3A_9 = arith.constant 0 : i32
    %dma_start3A_10 = arith.constant 0 : i32
    %dma_start3A_11 = tpu.memref_slice %arg2[%dma_start3A_9, %dma_start3A_10] : memref<1000000x128xf32, #tpu.memory_space<hbm>> -> memref<1000000x128xf32, #tpu.memory_space<hbm>>
    tpu.enqueue_indirect_dma source(%dma_start3A_11 : memref<1000000x128xf32, #tpu.memory_space<hbm>>) target(%dma_start3A_5 : memref<100x128xf32, #tpu.memory_space<vmem>>) offsets(%dma_start3A_8 : memref<100xi32, #tpu.memory_space<vmem>>) semaphore(%arg8 : memref<!tpu.dma_semaphore, #tpu.memory_space<semaphore_mem>>)
    %dma_start3A_12 = arith.constant 1 : i32
    %dma_start3A_13 = arith.constant 1 : i32
    %dma_start3A_14 = arith.constant 0 : i32
    %dma_start3A_15 = arith.constant 0 : i32
    %dma_start3A_16 = tpu.memref_slice %arg6[%dma_start3A_13, %dma_start3A_14, %dma_start3A_15] : memref<2x100x128xf32, #tpu.memory_space<vmem>> -> memref<1x100x128xf32, #tpu.memory_space<vmem>>
    %dma_start3A_17 = tpu.memref_squeeze %dma_start3A_16 : memref<1x100x128xf32, #tpu.memory_space<vmem>> -> memref<100x128xf32, #tpu.memory_space<vmem>>
    %dma_start3A_18 = arith.constant 0 : i32
    %dma_start3A_19 = tpu.memref_slice %arg5[%dma_start3A_12, %dma_start3A_18] : memref<256x100xi32, #tpu.memory_space<vmem>> -> memref<1x100xi32, #tpu.memory_space<vmem>>
    %dma_start3A_20 = tpu.memref_squeeze %dma_start3A_19 : memref<1x100xi32, #tpu.memory_space<vmem>> -> memref<100xi32, #tpu.memory_space<vmem>>
    %dma_start3A_21 = arith.constant 0 : i32
    %dma_start3A_22 = arith.constant 0 : i32
    %dma_start3A_23 = tpu.memref_slice %arg2[%dma_start3A_21, %dma_start3A_22] : memref<1000000x128xf32, #tpu.memory_space<hbm>> -> memref<1000000x128xf32, #tpu.memory_space<hbm>>
    tpu.enqueue_indirect_dma source(%dma_start3A_23 : memref<1000000x128xf32, #tpu.memory_space<hbm>>) target(%dma_start3A_17 : memref<100x128xf32, #tpu.memory_space<vmem>>) offsets(%dma_start3A_20 : memref<100xi32, #tpu.memory_space<vmem>>) semaphore(%arg9 : memref<!tpu.dma_semaphore, #tpu.memory_space<semaphore_mem>>)
    %scan3A = arith.constant 0 : i32
    %scan3A_24 = arith.constant 0 : i32
    %scan3A_25 = arith.constant 128 : i32
    %scan3A_26 = arith.addi %scan3A_24, %scan3A_25 : i32
    %scan3A_27 = arith.constant 1 : i32
    %scan3A_28 = scf.for %scan3A_67 = %scan3A_24 to %scan3A_26 step %scan3A_27 iter_args(%scan3A_68 = %scan3A) -> (i32)  : i32 {
      %mul3A_69 = arith.constant 2 : i32
      %mul3A_70 = arith.muli %mul3A_69, %scan3A_67 : i32
      %add3A_71 = arith.constant 0 : i32
      %add3A_72 = arith.addi %mul3A_70, %add3A_71 : i32
      %mul3A_73 = arith.constant 512 : i32
      %mul3A_74 = arith.muli %add3A, %mul3A_73 : i32
      %mul3A_75 = arith.constant 2 : i32
      %mul3A_76 = arith.muli %add3A_72, %mul3A_75 : i32
      %add3A_77 = arith.addi %mul3A_74, %mul3A_76 : i32
      %dma_wait3A_78 = arith.constant 0 : i32
      %dma_wait3A_79 = arith.constant 0 : i32
      %dma_wait3A_80 = arith.constant 0 : i32
      %dma_wait3A_81 = arith.constant 0 : i32
      %dma_wait3A_82 = tpu.memref_slice %arg6[%dma_wait3A_79, %dma_wait3A_80, %dma_wait3A_81] : memref<2x100x128xf32, #tpu.memory_space<vmem>> -> memref<1x100x128xf32, #tpu.memory_space<vmem>>
      %dma_wait3A_83 = tpu.memref_squeeze %dma_wait3A_82 : memref<1x100x128xf32, #tpu.memory_space<vmem>> -> memref<100x128xf32, #tpu.memory_space<vmem>>
      %dma_wait3A_84 = arith.constant 0 : i32
      %dma_wait3A_85 = tpu.memref_slice %arg5[%dma_wait3A_78, %dma_wait3A_84] : memref<256x100xi32, #tpu.memory_space<vmem>> -> memref<1x100xi32, #tpu.memory_space<vmem>>
      %dma_wait3A_86 = tpu.memref_squeeze %dma_wait3A_85 : memref<1x100xi32, #tpu.memory_space<vmem>> -> memref<100xi32, #tpu.memory_space<vmem>>
      %dma_wait3A_87 = arith.constant 0 : i32
      %dma_wait3A_88 = arith.constant 0 : i32
      %dma_wait3A_89 = tpu.memref_slice %arg2[%dma_wait3A_87, %dma_wait3A_88] : memref<1000000x128xf32, #tpu.memory_space<hbm>> -> memref<1000000x128xf32, #tpu.memory_space<hbm>>
      tpu.wait_indirect_dma semaphore(%arg8 : memref<!tpu.dma_semaphore, #tpu.memory_space<semaphore_mem>>) src(%dma_wait3A_89 : memref<1000000x128xf32, #tpu.memory_space<hbm>>) dst(%dma_wait3A_83 : memref<100x128xf32, #tpu.memory_space<vmem>>)
      %ge3A = arith.constant 1 : i32
      %ge3A_90 = arith.cmpi sge, %scan3A_67, %ge3A : i32
      %convert_element_type3A = arith.extui %ge3A_90 : i1 to i32
      %cond3A = arith.constant 0 : i32
      %cond3A_91 = arith.cmpi ne, %convert_element_type3A, %cond3A : i32
      scf.if %cond3A_91 {
        %dma_wait3A_173 = arith.constant 0 : i32
        %dma_wait3A_174 = arith.constant 0 : i32
        %dma_wait3A_175 = arith.constant 0 : i32
        %dma_wait3A_176 = arith.constant 0 : i32
        %dma_wait3A_177 = tpu.memref_slice %arg7[%dma_wait3A_173, %dma_wait3A_174, %dma_wait3A_175, %dma_wait3A_176] : memref<2x2x50x64xf32, #tpu.memory_space<vmem>> -> memref<1x2x50x64xf32, #tpu.memory_space<vmem>>
        %dma_wait3A_178 = tpu.memref_squeeze %dma_wait3A_177 : memref<1x2x50x64xf32, #tpu.memory_space<vmem>> -> memref<2x50x64xf32, #tpu.memory_space<vmem>>
        %dma_wait3A_179 = arith.constant 0 : i32
        %dma_wait3A_180 = arith.constant 0 : i32
        %dma_wait3A_181 = tpu.memref_slice %arg4[%add3A_77, %dma_wait3A_179, %dma_wait3A_180] : memref<16384x50x64xf32, #tpu.memory_space<hbm>> -> memref<2x50x64xf32, #tpu.memory_space<hbm>>
        %dma_wait3A_182 = arith.constant 0 : i32
        %dma_wait3A_183 = arith.constant 0 : i32
        %dma_wait3A_184 = tpu.memref_slice %arg4[%add3A_77, %dma_wait3A_182, %dma_wait3A_183] : memref<16384x50x64xf32, #tpu.memory_space<hbm>> -> memref<2x50x64xf32, #tpu.memory_space<hbm>>
        %dma_wait3A_185 = arith.constant 0 : i32
        %dma_wait3A_186 = arith.constant 0 : i32
        %dma_wait3A_187 = arith.constant 0 : i32
        %dma_wait3A_188 = tpu.memref_slice %arg7[%dma_wait3A_173, %dma_wait3A_185, %dma_wait3A_186, %dma_wait3A_187] : memref<2x2x50x64xf32, #tpu.memory_space<vmem>> -> memref<1x2x50x64xf32, #tpu.memory_space<vmem>>
        %dma_wait3A_189 = tpu.memref_squeeze %dma_wait3A_188 : memref<1x2x50x64xf32, #tpu.memory_space<vmem>> -> memref<2x50x64xf32, #tpu.memory_space<vmem>>
        tpu.wait_dma2 semaphore(%arg10 : memref<!tpu.dma_semaphore, #tpu.memory_space<semaphore_mem>>) src(%dma_wait3A_189 : memref<2x50x64xf32, #tpu.memory_space<vmem>>) dst(%dma_wait3A_184 : memref<2x50x64xf32, #tpu.memory_space<hbm>>)
      } else {
      }
      %parallel_loop3A = arith.constant 0 : i32
      %parallel_loop3A_92 = arith.constant 50 : i32
      %parallel_loop3A_93 = arith.constant 1 : i32
      scf.for %parallel_loop3A_173 = %parallel_loop3A to %parallel_loop3A_92 step %parallel_loop3A_93  : i32 {
        %parallel_loop3A_174 = arith.constant 0 : i32
        %parallel_loop3A_175 = arith.addi %parallel_loop3A_174, %parallel_loop3A_173 : i32
        %parallel_loop3A_176 = arith.constant 0 : i32
        %parallel_loop3A_177 = arith.index_cast %parallel_loop3A_176 : i32 to index
        %parallel_loop3A_178 = arith.index_cast %parallel_loop3A_175 : i32 to index
        %parallel_loop3A_179 = arith.constant 0 : index
        %parallel_loop3A_180 = tpu.vector_load %arg6[%parallel_loop3A_177, %parallel_loop3A_178, %parallel_loop3A_179] {strides = array<i32>} : memref<2x100x128xf32, #tpu.memory_space<vmem>>, vector<1x1x16xf32>,
        %parallel_loop3A_181 = vector.shape_cast %parallel_loop3A_180 : vector<1x1x16xf32> to vector<16xf32>
        %parallel_loop3A_182 = arith.constant 8.000000e+00 : f32
        %parallel_loop3A_183 = vector.broadcast %parallel_loop3A_182 : f32 to vector<16xf32>
        %parallel_loop3A_184 = arith.mulf %parallel_loop3A_181, %parallel_loop3A_183 : vector<16xf32>
        %parallel_loop3A_185 = arith.constant 0 : i32
        %parallel_loop3A_186 = arith.constant 0 : i32
        %parallel_loop3A_187 = arith.index_cast %parallel_loop3A_185 : i32 to index
        %parallel_loop3A_188 = arith.index_cast %parallel_loop3A_186 : i32 to index
        %parallel_loop3A_189 = arith.index_cast %parallel_loop3A_173 : i32 to index
        %parallel_loop3A_190 = arith.constant 0 : index
        %parallel_loop3A_191 = tpu.vector_load %arg7[%parallel_loop3A_187, %parallel_loop3A_188, %parallel_loop3A_189, %parallel_loop3A_190] {strides = array<i32>} : memref<2x2x50x64xf32, #tpu.memory_space<vmem>>, vector<1x1x1x16xf32>,
        %parallel_loop3A_192 = vector.shape_cast %parallel_loop3A_191 : vector<1x1x1x16xf32> to vector<16xf32>
        %parallel_loop3A_193 = vector.shape_cast %parallel_loop3A_184 : vector<16xf32> to vector<1x1x1x16xf32>
        tpu.vector_store %arg7[%parallel_loop3A_187, %parallel_loop3A_188, %parallel_loop3A_189, %parallel_loop3A_190], %parallel_loop3A_193 {strides = array<i32>} : memref<2x2x50x64xf32, #tpu.memory_space<vmem>>, vector<1x1x1x16xf32>,
        %parallel_loop3A_194 = arith.constant 0 : i32
        %parallel_loop3A_195 = arith.addi %parallel_loop3A_194, %parallel_loop3A_173 : i32
        %parallel_loop3A_196 = arith.constant 0 : i32
        %parallel_loop3A_197 = arith.index_cast %parallel_loop3A_196 : i32 to index
        %parallel_loop3A_198 = arith.index_cast %parallel_loop3A_195 : i32 to index
        %parallel_loop3A_199 = arith.constant 16 : index
        %parallel_loop3A_200 = tpu.vector_load %arg6[%parallel_loop3A_197, %parallel_loop3A_198, %parallel_loop3A_199] {strides = array<i32>} : memref<2x100x128xf32, #tpu.memory_space<vmem>>, vector<1x1x16xf32>,
        %parallel_loop3A_201 = vector.shape_cast %parallel_loop3A_200 : vector<1x1x16xf32> to vector<16xf32>
        %parallel_loop3A_202 = arith.constant 8.000000e+00 : f32
        %parallel_loop3A_203 = vector.broadcast %parallel_loop3A_202 : f32 to vector<16xf32>
        %parallel_loop3A_204 = arith.mulf %parallel_loop3A_201, %parallel_loop3A_203 : vector<16xf32>
        %parallel_loop3A_205 = arith.constant 0 : i32
        %parallel_loop3A_206 = arith.constant 0 : i32
        %parallel_loop3A_207 = arith.index_cast %parallel_loop3A_205 : i32 to index
        %parallel_loop3A_208 = arith.index_cast %parallel_loop3A_206 : i32 to index
        %parallel_loop3A_209 = arith.index_cast %parallel_loop3A_173 : i32 to index
        %parallel_loop3A_210 = arith.constant 16 : index
        %parallel_loop3A_211 = tpu.vector_load %arg7[%parallel_loop3A_207, %parallel_loop3A_208, %parallel_loop3A_209, %parallel_loop3A_210] {strides = array<i32>} : memref<2x2x50x64xf32, #tpu.memory_space<vmem>>, vector<1x1x1x16xf32>,
        %parallel_loop3A_212 = vector.shape_cast %parallel_loop3A_211 : vector<1x1x1x16xf32> to vector<16xf32>
        %parallel_loop3A_213 = vector.shape_cast %parallel_loop3A_204 : vector<16xf32> to vector<1x1x1x16xf32>
        tpu.vector_store %arg7[%parallel_loop3A_207, %parallel_loop3A_208, %parallel_loop3A_209, %parallel_loop3A_210], %parallel_loop3A_213 {strides = array<i32>} : memref<2x2x50x64xf32, #tpu.memory_space<vmem>>, vector<1x1x1x16xf32>,
        %parallel_loop3A_214 = arith.constant 0 : i32
        %parallel_loop3A_215 = arith.addi %parallel_loop3A_214, %parallel_loop3A_173 : i32
        %parallel_loop3A_216 = arith.constant 0 : i32
        %parallel_loop3A_217 = arith.index_cast %parallel_loop3A_216 : i32 to index
        %parallel_loop3A_218 = arith.index_cast %parallel_loop3A_215 : i32 to index
        %parallel_loop3A_219 = arith.constant 32 : index
        %parallel_loop3A_220 = tpu.vector_load %arg6[%parallel_loop3A_217, %parallel_loop3A_218, %parallel_loop3A_219] {strides = array<i32>} : memref<2x100x128xf32, #tpu.memory_space<vmem>>, vector<1x1x16xf32>,
        %parallel_loop3A_221 = vector.shape_cast %parallel_loop3A_220 : vector<1x1x16xf32> to vector<16xf32>
        %parallel_loop3A_222 = arith.constant 8.000000e+00 : f32
        %parallel_loop3A_223 = vector.broadcast %parallel_loop3A_222 : f32 to vector<16xf32>
        %parallel_loop3A_224 = arith.mulf %parallel_loop3A_221, %parallel_loop3A_223 : vector<16xf32>
        %parallel_loop3A_225 = arith.constant 0 : i32
        %parallel_loop3A_226 = arith.constant 0 : i32
        %parallel_loop3A_227 = arith.index_cast %parallel_loop3A_225 : i32 to index
        %parallel_loop3A_228 = arith.index_cast %parallel_loop3A_226 : i32 to index
        %parallel_loop3A_229 = arith.index_cast %parallel_loop3A_173 : i32 to index
        %parallel_loop3A_230 = arith.constant 32 : index
        %parallel_loop3A_231 = tpu.vector_load %arg7[%parallel_loop3A_227, %parallel_loop3A_228, %parallel_loop3A_229, %parallel_loop3A_230] {strides = array<i32>} : memref<2x2x50x64xf32, #tpu.memory_space<vmem>>, vector<1x1x1x16xf32>,
        %parallel_loop3A_232 = vector.shape_cast %parallel_loop3A_231 : vector<1x1x1x16xf32> to vector<16xf32>
        %parallel_loop3A_233 = vector.shape_cast %parallel_loop3A_224 : vector<16xf32> to vector<1x1x1x16xf32>
        tpu.vector_store %arg7[%parallel_loop3A_227, %parallel_loop3A_228, %parallel_loop3A_229, %parallel_loop3A_230], %parallel_loop3A_233 {strides = array<i32>} : memref<2x2x50x64xf32, #tpu.memory_space<vmem>>, vector<1x1x1x16xf32>,
        %parallel_loop3A_234 = arith.constant 0 : i32
        %parallel_loop3A_235 = arith.addi %parallel_loop3A_234, %parallel_loop3A_173 : i32
        %parallel_loop3A_236 = arith.constant 0 : i32
        %parallel_loop3A_237 = arith.index_cast %parallel_loop3A_236 : i32 to index
        %parallel_loop3A_238 = arith.index_cast %parallel_loop3A_235 : i32 to index
        %parallel_loop3A_239 = arith.constant 48 : index
        %parallel_loop3A_240 = tpu.vector_load %arg6[%parallel_loop3A_237, %parallel_loop3A_238, %parallel_loop3A_239] {strides = array<i32>} : memref<2x100x128xf32, #tpu.memory_space<vmem>>, vector<1x1x16xf32>,
        %parallel_loop3A_241 = vector.shape_cast %parallel_loop3A_240 : vector<1x1x16xf32> to vector<16xf32>
        %parallel_loop3A_242 = arith.constant 8.000000e+00 : f32
        %parallel_loop3A_243 = vector.broadcast %parallel_loop3A_242 : f32 to vector<16xf32>
        %parallel_loop3A_244 = arith.mulf %parallel_loop3A_241, %parallel_loop3A_243 : vector<16xf32>
        %parallel_loop3A_245 = arith.constant 0 : i32
        %parallel_loop3A_246 = arith.constant 0 : i32
        %parallel_loop3A_247 = arith.index_cast %parallel_loop3A_245 : i32 to index
        %parallel_loop3A_248 = arith.index_cast %parallel_loop3A_246 : i32 to index
        %parallel_loop3A_249 = arith.index_cast %parallel_loop3A_173 : i32 to index
        %parallel_loop3A_250 = arith.constant 48 : index
        %parallel_loop3A_251 = tpu.vector_load %arg7[%parallel_loop3A_247, %parallel_loop3A_248, %parallel_loop3A_249, %parallel_loop3A_250] {strides = array<i32>} : memref<2x2x50x64xf32, #tpu.memory_space<vmem>>, vector<1x1x1x16xf32>,
        %parallel_loop3A_252 = vector.shape_cast %parallel_loop3A_251 : vector<1x1x1x16xf32> to vector<16xf32>
        %parallel_loop3A_253 = vector.shape_cast %parallel_loop3A_244 : vector<16xf32> to vector<1x1x1x16xf32>
        tpu.vector_store %arg7[%parallel_loop3A_247, %parallel_loop3A_248, %parallel_loop3A_249, %parallel_loop3A_250], %parallel_loop3A_253 {strides = array<i32>} : memref<2x2x50x64xf32, #tpu.memory_space<vmem>>, vector<1x1x1x16xf32>,
      } {sc.loop_unroll_factor = 2 : i64, sc.parallel_access}
      %parallel_loop3A_94 = arith.constant 0 : i32
      %parallel_loop3A_95 = arith.constant 50 : i32
      %parallel_loop3A_96 = arith.constant 1 : i32
      scf.for %parallel_loop3A_173 = %parallel_loop3A_94 to %parallel_loop3A_95 step %parallel_loop3A_96  : i32 {
        %parallel_loop3A_174 = arith.constant 50 : i32
        %parallel_loop3A_175 = arith.addi %parallel_loop3A_174, %parallel_loop3A_173 : i32
        %parallel_loop3A_176 = arith.constant 0 : i32
        %parallel_loop3A_177 = arith.index_cast %parallel_loop3A_176 : i32 to index
        %parallel_loop3A_178 = arith.index_cast %parallel_loop3A_175 : i32 to index
        %parallel_loop3A_179 = arith.constant 0 : index
        %parallel_loop3A_180 = tpu.vector_load %arg6[%parallel_loop3A_177, %parallel_loop3A_178, %parallel_loop3A_179] {strides = array<i32>} : memref<2x100x128xf32, #tpu.memory_space<vmem>>, vector<1x1x16xf32>,
        %parallel_loop3A_181 = vector.shape_cast %parallel_loop3A_180 : vector<1x1x16xf32> to vector<16xf32>
        %parallel_loop3A_182 = arith.constant 8.000000e+00 : f32
        %parallel_loop3A_183 = vector.broadcast %parallel_loop3A_182 : f32 to vector<16xf32>
        %parallel_loop3A_184 = arith.mulf %parallel_loop3A_181, %parallel_loop3A_183 : vector<16xf32>
        %parallel_loop3A_185 = arith.constant 0 : i32
        %parallel_loop3A_186 = arith.constant 1 : i32
        %parallel_loop3A_187 = arith.index_cast %parallel_loop3A_185 : i32 to index
        %parallel_loop3A_188 = arith.index_cast %parallel_loop3A_186 : i32 to index
        %parallel_loop3A_189 = arith.index_cast %parallel_loop3A_173 : i32 to index
        %parallel_loop3A_190 = arith.constant 0 : index
        %parallel_loop3A_191 = tpu.vector_load %arg7[%parallel_loop3A_187, %parallel_loop3A_188, %parallel_loop3A_189, %parallel_loop3A_190] {strides = array<i32>} : memref<2x2x50x64xf32, #tpu.memory_space<vmem>>, vector<1x1x1x16xf32>,
        %parallel_loop3A_192 = vector.shape_cast %parallel_loop3A_191 : vector<1x1x1x16xf32> to vector<16xf32>
        %parallel_loop3A_193 = vector.shape_cast %parallel_loop3A_184 : vector<16xf32> to vector<1x1x1x16xf32>
        tpu.vector_store %arg7[%parallel_loop3A_187, %parallel_loop3A_188, %parallel_loop3A_189, %parallel_loop3A_190], %parallel_loop3A_193 {strides = array<i32>} : memref<2x2x50x64xf32, #tpu.memory_space<vmem>>, vector<1x1x1x16xf32>,
        %parallel_loop3A_194 = arith.constant 50 : i32
        %parallel_loop3A_195 = arith.addi %parallel_loop3A_194, %parallel_loop3A_173 : i32
        %parallel_loop3A_196 = arith.constant 0 : i32
        %parallel_loop3A_197 = arith.index_cast %parallel_loop3A_196 : i32 to index
        %parallel_loop3A_198 = arith.index_cast %parallel_loop3A_195 : i32 to index
        %parallel_loop3A_199 = arith.constant 16 : index
        %parallel_loop3A_200 = tpu.vector_load %arg6[%parallel_loop3A_197, %parallel_loop3A_198, %parallel_loop3A_199] {strides = array<i32>} : memref<2x100x128xf32, #tpu.memory_space<vmem>>, vector<1x1x16xf32>,
        %parallel_loop3A_201 = vector.shape_cast %parallel_loop3A_200 : vector<1x1x16xf32> to vector<16xf32>
        %parallel_loop3A_202 = arith.constant 8.000000e+00 : f32
        %parallel_loop3A_203 = vector.broadcast %parallel_loop3A_202 : f32 to vector<16xf32>
        %parallel_loop3A_204 = arith.mulf %parallel_loop3A_201, %parallel_loop3A_203 : vector<16xf32>
        %parallel_loop3A_205 = arith.constant 0 : i32
        %parallel_loop3A_206 = arith.constant 1 : i32
        %parallel_loop3A_207 = arith.index_cast %parallel_loop3A_205 : i32 to index
        %parallel_loop3A_208 = arith.index_cast %parallel_loop3A_206 : i32 to index
        %parallel_loop3A_209 = arith.index_cast %parallel_loop3A_173 : i32 to index
        %parallel_loop3A_210 = arith.constant 16 : index
        %parallel_loop3A_211 = tpu.vector_load %arg7[%parallel_loop3A_207, %parallel_loop3A_208, %parallel_loop3A_209, %parallel_loop3A_210] {strides = array<i32>} : memref<2x2x50x64xf32, #tpu.memory_space<vmem>>, vector<1x1x1x16xf32>,
        %parallel_loop3A_212 = vector.shape_cast %parallel_loop3A_211 : vector<1x1x1x16xf32> to vector<16xf32>
        %parallel_loop3A_213 = vector.shape_cast %parallel_loop3A_204 : vector<16xf32> to vector<1x1x1x16xf32>
        tpu.vector_store %arg7[%parallel_loop3A_207, %parallel_loop3A_208, %parallel_loop3A_209, %parallel_loop3A_210], %parallel_loop3A_213 {strides = array<i32>} : memref<2x2x50x64xf32, #tpu.memory_space<vmem>>, vector<1x1x1x16xf32>,
        %parallel_loop3A_214 = arith.constant 50 : i32
        %parallel_loop3A_215 = arith.addi %parallel_loop3A_214, %parallel_loop3A_173 : i32
        %parallel_loop3A_216 = arith.constant 0 : i32
        %parallel_loop3A_217 = arith.index_cast %parallel_loop3A_216 : i32 to index
        %parallel_loop3A_218 = arith.index_cast %parallel_loop3A_215 : i32 to index
        %parallel_loop3A_219 = arith.constant 32 : index
        %parallel_loop3A_220 = tpu.vector_load %arg6[%parallel_loop3A_217, %parallel_loop3A_218, %parallel_loop3A_219] {strides = array<i32>} : memref<2x100x128xf32, #tpu.memory_space<vmem>>, vector<1x1x16xf32>,
        %parallel_loop3A_221 = vector.shape_cast %parallel_loop3A_220 : vector<1x1x16xf32> to vector<16xf32>
        %parallel_loop3A_222 = arith.constant 8.000000e+00 : f32
        %parallel_loop3A_223 = vector.broadcast %parallel_loop3A_222 : f32 to vector<16xf32>
        %parallel_loop3A_224 = arith.mulf %parallel_loop3A_221, %parallel_loop3A_223 : vector<16xf32>
        %parallel_loop3A_225 = arith.constant 0 : i32
        %parallel_loop3A_226 = arith.constant 1 : i32
        %parallel_loop3A_227 = arith.index_cast %parallel_loop3A_225 : i32 to index
        %parallel_loop3A_228 = arith.index_cast %parallel_loop3A_226 : i32 to index
        %parallel_loop3A_229 = arith.index_cast %parallel_loop3A_173 : i32 to index
        %parallel_loop3A_230 = arith.constant 32 : index
        %parallel_loop3A_231 = tpu.vector_load %arg7[%parallel_loop3A_227, %parallel_loop3A_228, %parallel_loop3A_229, %parallel_loop3A_230] {strides = array<i32>} : memref<2x2x50x64xf32, #tpu.memory_space<vmem>>, vector<1x1x1x16xf32>,
        %parallel_loop3A_232 = vector.shape_cast %parallel_loop3A_231 : vector<1x1x1x16xf32> to vector<16xf32>
        %parallel_loop3A_233 = vector.shape_cast %parallel_loop3A_224 : vector<16xf32> to vector<1x1x1x16xf32>
        tpu.vector_store %arg7[%parallel_loop3A_227, %parallel_loop3A_228, %parallel_loop3A_229, %parallel_loop3A_230], %parallel_loop3A_233 {strides = array<i32>} : memref<2x2x50x64xf32, #tpu.memory_space<vmem>>, vector<1x1x1x16xf32>,
        %parallel_loop3A_234 = arith.constant 50 : i32
        %parallel_loop3A_235 = arith.addi %parallel_loop3A_234, %parallel_loop3A_173 : i32
        %parallel_loop3A_236 = arith.constant 0 : i32
        %parallel_loop3A_237 = arith.index_cast %parallel_loop3A_236 : i32 to index
        %parallel_loop3A_238 = arith.index_cast %parallel_loop3A_235 : i32 to index
        %parallel_loop3A_239 = arith.constant 48 : index
        %parallel_loop3A_240 = tpu.vector_load %arg6[%parallel_loop3A_237, %parallel_loop3A_238, %parallel_loop3A_239] {strides = array<i32>} : memref<2x100x128xf32, #tpu.memory_space<vmem>>, vector<1x1x16xf32>,
        %parallel_loop3A_241 = vector.shape_cast %parallel_loop3A_240 : vector<1x1x16xf32> to vector<16xf32>
        %parallel_loop3A_242 = arith.constant 8.000000e+00 : f32
        %parallel_loop3A_243 = vector.broadcast %parallel_loop3A_242 : f32 to vector<16xf32>
        %parallel_loop3A_244 = arith.mulf %parallel_loop3A_241, %parallel_loop3A_243 : vector<16xf32>
        %parallel_loop3A_245 = arith.constant 0 : i32
        %parallel_loop3A_246 = arith.constant 1 : i32
        %parallel_loop3A_247 = arith.index_cast %parallel_loop3A_245 : i32 to index
        %parallel_loop3A_248 = arith.index_cast %parallel_loop3A_246 : i32 to index
        %parallel_loop3A_249 = arith.index_cast %parallel_loop3A_173 : i32 to index
        %parallel_loop3A_250 = arith.constant 48 : index
        %parallel_loop3A_251 = tpu.vector_load %arg7[%parallel_loop3A_247, %parallel_loop3A_248, %parallel_loop3A_249, %parallel_loop3A_250] {strides = array<i32>} : memref<2x2x50x64xf32, #tpu.memory_space<vmem>>, vector<1x1x1x16xf32>,
        %parallel_loop3A_252 = vector.shape_cast %parallel_loop3A_251 : vector<1x1x1x16xf32> to vector<16xf32>
        %parallel_loop3A_253 = vector.shape_cast %parallel_loop3A_244 : vector<16xf32> to vector<1x1x1x16xf32>
        tpu.vector_store %arg7[%parallel_loop3A_247, %parallel_loop3A_248, %parallel_loop3A_249, %parallel_loop3A_250], %parallel_loop3A_253 {strides = array<i32>} : memref<2x2x50x64xf32, #tpu.memory_space<vmem>>, vector<1x1x1x16xf32>,
      } {sc.loop_unroll_factor = 2 : i64, sc.parallel_access}
      %lt3A = arith.constant 127 : i32
      %lt3A_97 = arith.cmpi slt, %scan3A_67, %lt3A : i32
      %convert_element_type3A_98 = arith.extui %lt3A_97 : i1 to i32
      %cond3A_99 = arith.constant 0 : i32
      %cond3A_100 = arith.cmpi ne, %convert_element_type3A_98, %cond3A_99 : i32
      scf.if %cond3A_100 {
        %add3A_173 = arith.constant 2 : i32
        %add3A_174 = arith.addi %add3A_72, %add3A_173 : i32
        %dma_start3A_175 = arith.constant 0 : i32
        %dma_start3A_176 = arith.constant 0 : i32
        %dma_start3A_177 = arith.constant 0 : i32
        %dma_start3A_178 = tpu.memref_slice %arg6[%dma_start3A_175, %dma_start3A_176, %dma_start3A_177] : memref<2x100x128xf32, #tpu.memory_space<vmem>> -> memref<1x100x128xf32, #tpu.memory_space<vmem>>
        %dma_start3A_179 = tpu.memref_squeeze %dma_start3A_178 : memref<1x100x128xf32, #tpu.memory_space<vmem>> -> memref<100x128xf32, #tpu.memory_space<vmem>>
        %dma_start3A_180 = arith.constant 0 : i32
        %dma_start3A_181 = tpu.memref_slice %arg5[%add3A_174, %dma_start3A_180] : memref<256x100xi32, #tpu.memory_space<vmem>> -> memref<1x100xi32, #tpu.memory_space<vmem>>
        %dma_start3A_182 = tpu.memref_squeeze %dma_start3A_181 : memref<1x100xi32, #tpu.memory_space<vmem>> -> memref<100xi32, #tpu.memory_space<vmem>>
        %dma_start3A_183 = arith.constant 0 : i32
        %dma_start3A_184 = arith.constant 0 : i32
        %dma_start3A_185 = tpu.memref_slice %arg2[%dma_start3A_183, %dma_start3A_184] : memref<1000000x128xf32, #tpu.memory_space<hbm>> -> memref<1000000x128xf32, #tpu.memory_space<hbm>>
        tpu.enqueue_indirect_dma source(%dma_start3A_185 : memref<1000000x128xf32, #tpu.memory_space<hbm>>) target(%dma_start3A_179 : memref<100x128xf32, #tpu.memory_space<vmem>>) offsets(%dma_start3A_182 : memref<100xi32, #tpu.memory_space<vmem>>) semaphore(%arg8 : memref<!tpu.dma_semaphore, #tpu.memory_space<semaphore_mem>>)
      } else {
      }
      %dma_start3A_101 = arith.constant 0 : i32
      %dma_start3A_102 = arith.constant 0 : i32
      %dma_start3A_103 = arith.constant 0 : i32
      %dma_start3A_104 = arith.constant 0 : i32
      %dma_start3A_105 = tpu.memref_slice %arg7[%dma_start3A_101, %dma_start3A_102, %dma_start3A_103, %dma_start3A_104] : memref<2x2x50x64xf32, #tpu.memory_space<vmem>> -> memref<1x2x50x64xf32, #tpu.memory_space<vmem>>
      %dma_start3A_106 = tpu.memref_squeeze %dma_start3A_105 : memref<1x2x50x64xf32, #tpu.memory_space<vmem>> -> memref<2x50x64xf32, #tpu.memory_space<vmem>>
      %dma_start3A_107 = arith.constant 0 : i32
      %dma_start3A_108 = arith.constant 0 : i32
      %dma_start3A_109 = tpu.memref_slice %arg4[%add3A_77, %dma_start3A_107, %dma_start3A_108] : memref<16384x50x64xf32, #tpu.memory_space<hbm>> -> memref<2x50x64xf32, #tpu.memory_space<hbm>>
      %dma_start3A_110 = arith.constant 0 : i32
      %dma_start3A_111 = arith.constant 0 : i32
      %dma_start3A_112 = tpu.memref_slice %arg4[%add3A_77, %dma_start3A_110, %dma_start3A_111] : memref<16384x50x64xf32, #tpu.memory_space<hbm>> -> memref<2x50x64xf32, #tpu.memory_space<hbm>>
      %dma_start3A_113 = arith.constant 0 : i32
      %dma_start3A_114 = arith.constant 0 : i32
      %dma_start3A_115 = arith.constant 0 : i32
      %dma_start3A_116 = tpu.memref_slice %arg7[%dma_start3A_101, %dma_start3A_113, %dma_start3A_114, %dma_start3A_115] : memref<2x2x50x64xf32, #tpu.memory_space<vmem>> -> memref<1x2x50x64xf32, #tpu.memory_space<vmem>>
      %dma_start3A_117 = tpu.memref_squeeze %dma_start3A_116 : memref<1x2x50x64xf32, #tpu.memory_space<vmem>> -> memref<2x50x64xf32, #tpu.memory_space<vmem>>
      tpu.enqueue_dma source(%dma_start3A_117 : memref<2x50x64xf32, #tpu.memory_space<vmem>>) target(%dma_start3A_112 : memref<2x50x64xf32, #tpu.memory_space<hbm>>) target_semaphore(%arg10 : memref<!tpu.dma_semaphore, #tpu.memory_space<semaphore_mem>>)
      %mul3A_118 = arith.constant 2 : i32
      %mul3A_119 = arith.muli %mul3A_118, %scan3A_67 : i32
      %add3A_120 = arith.constant 1 : i32
      %add3A_121 = arith.addi %mul3A_119, %add3A_120 : i32
      %mul3A_122 = arith.constant 512 : i32
      %mul3A_123 = arith.muli %add3A, %mul3A_122 : i32
      %mul3A_124 = arith.constant 2 : i32
      %mul3A_125 = arith.muli %add3A_121, %mul3A_124 : i32
      %add3A_126 = arith.addi %mul3A_123, %mul3A_125 : i32
      %dma_wait3A_127 = arith.constant 0 : i32
      %dma_wait3A_128 = arith.constant 1 : i32
      %dma_wait3A_129 = arith.constant 0 : i32
      %dma_wait3A_130 = arith.constant 0 : i32
      %dma_wait3A_131 = tpu.memref_slice %arg6[%dma_wait3A_128, %dma_wait3A_129, %dma_wait3A_130] : memref<2x100x128xf32, #tpu.memory_space<vmem>> -> memref<1x100x128xf32, #tpu.memory_space<vmem>>
      %dma_wait3A_132 = tpu.memref_squeeze %dma_wait3A_131 : memref<1x100x128xf32, #tpu.memory_space<vmem>> -> memref<100x128xf32, #tpu.memory_space<vmem>>
      %dma_wait3A_133 = arith.constant 0 : i32
      %dma_wait3A_134 = tpu.memref_slice %arg5[%dma_wait3A_127, %dma_wait3A_133] : memref<256x100xi32, #tpu.memory_space<vmem>> -> memref<1x100xi32, #tpu.memory_space<vmem>>
      %dma_wait3A_135 = tpu.memref_squeeze %dma_wait3A_134 : memref<1x100xi32, #tpu.memory_space<vmem>> -> memref<100xi32, #tpu.memory_space<vmem>>
      %dma_wait3A_136 = arith.constant 0 : i32
      %dma_wait3A_137 = arith.constant 0 : i32
      %dma_wait3A_138 = tpu.memref_slice %arg2[%dma_wait3A_136, %dma_wait3A_137] : memref<1000000x128xf32, #tpu.memory_space<hbm>> -> memref<1000000x128xf32, #tpu.memory_space<hbm>>
      tpu.wait_indirect_dma semaphore(%arg9 : memref<!tpu.dma_semaphore, #tpu.memory_space<semaphore_mem>>) src(%dma_wait3A_138 : memref<1000000x128xf32, #tpu.memory_space<hbm>>) dst(%dma_wait3A_132 : memref<100x128xf32, #tpu.memory_space<vmem>>)
      %ge3A_139 = arith.constant 1 : i32
      %ge3A_140 = arith.cmpi sge, %scan3A_67, %ge3A_139 : i32
      %convert_element_type3A_141 = arith.extui %ge3A_140 : i1 to i32
      %cond3A_142 = arith.constant 0 : i32
      %cond3A_143 = arith.cmpi ne, %convert_element_type3A_141, %cond3A_142 : i32
      scf.if %cond3A_143 {
        %dma_wait3A_173 = arith.constant 1 : i32
        %dma_wait3A_174 = arith.constant 0 : i32
        %dma_wait3A_175 = arith.constant 0 : i32
        %dma_wait3A_176 = arith.constant 0 : i32
        %dma_wait3A_177 = tpu.memref_slice %arg7[%dma_wait3A_173, %dma_wait3A_174, %dma_wait3A_175, %dma_wait3A_176] : memref<2x2x50x64xf32, #tpu.memory_space<vmem>> -> memref<1x2x50x64xf32, #tpu.memory_space<vmem>>
        %dma_wait3A_178 = tpu.memref_squeeze %dma_wait3A_177 : memref<1x2x50x64xf32, #tpu.memory_space<vmem>> -> memref<2x50x64xf32, #tpu.memory_space<vmem>>
        %dma_wait3A_179 = arith.constant 0 : i32
        %dma_wait3A_180 = arith.constant 0 : i32
        %dma_wait3A_181 = tpu.memref_slice %arg4[%add3A_126, %dma_wait3A_179, %dma_wait3A_180] : memref<16384x50x64xf32, #tpu.memory_space<hbm>> -> memref<2x50x64xf32, #tpu.memory_space<hbm>>
        %dma_wait3A_182 = arith.constant 0 : i32
        %dma_wait3A_183 = arith.constant 0 : i32
        %dma_wait3A_184 = tpu.memref_slice %arg4[%add3A_126, %dma_wait3A_182, %dma_wait3A_183] : memref<16384x50x64xf32, #tpu.memory_space<hbm>> -> memref<2x50x64xf32, #tpu.memory_space<hbm>>
        %dma_wait3A_185 = arith.constant 0 : i32
        %dma_wait3A_186 = arith.constant 0 : i32
        %dma_wait3A_187 = arith.constant 0 : i32
        %dma_wait3A_188 = tpu.memref_slice %arg7[%dma_wait3A_173, %dma_wait3A_185, %dma_wait3A_186, %dma_wait3A_187] : memref<2x2x50x64xf32, #tpu.memory_space<vmem>> -> memref<1x2x50x64xf32, #tpu.memory_space<vmem>>
        %dma_wait3A_189 = tpu.memref_squeeze %dma_wait3A_188 : memref<1x2x50x64xf32, #tpu.memory_space<vmem>> -> memref<2x50x64xf32, #tpu.memory_space<vmem>>
        tpu.wait_dma2 semaphore(%arg11 : memref<!tpu.dma_semaphore, #tpu.memory_space<semaphore_mem>>) src(%dma_wait3A_189 : memref<2x50x64xf32, #tpu.memory_space<vmem>>) dst(%dma_wait3A_184 : memref<2x50x64xf32, #tpu.memory_space<hbm>>)
      } else {
      }
      %parallel_loop3A_144 = arith.constant 0 : i32
      %parallel_loop3A_145 = arith.constant 50 : i32
      %parallel_loop3A_146 = arith.constant 1 : i32
      scf.for %parallel_loop3A_173 = %parallel_loop3A_144 to %parallel_loop3A_145 step %parallel_loop3A_146  : i32 {
        %parallel_loop3A_174 = arith.constant 0 : i32
        %parallel_loop3A_175 = arith.addi %parallel_loop3A_174, %parallel_loop3A_173 : i32
        %parallel_loop3A_176 = arith.constant 1 : i32
        %parallel_loop3A_177 = arith.index_cast %parallel_loop3A_176 : i32 to index
        %parallel_loop3A_178 = arith.index_cast %parallel_loop3A_175 : i32 to index
        %parallel_loop3A_179 = arith.constant 0 : index
        %parallel_loop3A_180 = tpu.vector_load %arg6[%parallel_loop3A_177, %parallel_loop3A_178, %parallel_loop3A_179] {strides = array<i32>} : memref<2x100x128xf32, #tpu.memory_space<vmem>>, vector<1x1x16xf32>,
        %parallel_loop3A_181 = vector.shape_cast %parallel_loop3A_180 : vector<1x1x16xf32> to vector<16xf32>
        %parallel_loop3A_182 = arith.constant 8.000000e+00 : f32
        %parallel_loop3A_183 = vector.broadcast %parallel_loop3A_182 : f32 to vector<16xf32>
        %parallel_loop3A_184 = arith.mulf %parallel_loop3A_181, %parallel_loop3A_183 : vector<16xf32>
        %parallel_loop3A_185 = arith.constant 1 : i32
        %parallel_loop3A_186 = arith.constant 0 : i32
        %parallel_loop3A_187 = arith.index_cast %parallel_loop3A_185 : i32 to index
        %parallel_loop3A_188 = arith.index_cast %parallel_loop3A_186 : i32 to index
        %parallel_loop3A_189 = arith.index_cast %parallel_loop3A_173 : i32 to index
        %parallel_loop3A_190 = arith.constant 0 : index
        %parallel_loop3A_191 = tpu.vector_load %arg7[%parallel_loop3A_187, %parallel_loop3A_188, %parallel_loop3A_189, %parallel_loop3A_190] {strides = array<i32>} : memref<2x2x50x64xf32, #tpu.memory_space<vmem>>, vector<1x1x1x16xf32>,
        %parallel_loop3A_192 = vector.shape_cast %parallel_loop3A_191 : vector<1x1x1x16xf32> to vector<16xf32>
        %parallel_loop3A_193 = vector.shape_cast %parallel_loop3A_184 : vector<16xf32> to vector<1x1x1x16xf32>
        tpu.vector_store %arg7[%parallel_loop3A_187, %parallel_loop3A_188, %parallel_loop3A_189, %parallel_loop3A_190], %parallel_loop3A_193 {strides = array<i32>} : memref<2x2x50x64xf32, #tpu.memory_space<vmem>>, vector<1x1x1x16xf32>,
        %parallel_loop3A_194 = arith.constant 0 : i32
        %parallel_loop3A_195 = arith.addi %parallel_loop3A_194, %parallel_loop3A_173 : i32
        %parallel_loop3A_196 = arith.constant 1 : i32
        %parallel_loop3A_197 = arith.index_cast %parallel_loop3A_196 : i32 to index
        %parallel_loop3A_198 = arith.index_cast %parallel_loop3A_195 : i32 to index
        %parallel_loop3A_199 = arith.constant 16 : index
        %parallel_loop3A_200 = tpu.vector_load %arg6[%parallel_loop3A_197, %parallel_loop3A_198, %parallel_loop3A_199] {strides = array<i32>} : memref<2x100x128xf32, #tpu.memory_space<vmem>>, vector<1x1x16xf32>,
        %parallel_loop3A_201 = vector.shape_cast %parallel_loop3A_200 : vector<1x1x16xf32> to vector<16xf32>
        %parallel_loop3A_202 = arith.constant 8.000000e+00 : f32
        %parallel_loop3A_203 = vector.broadcast %parallel_loop3A_202 : f32 to vector<16xf32>
        %parallel_loop3A_204 = arith.mulf %parallel_loop3A_201, %parallel_loop3A_203 : vector<16xf32>
        %parallel_loop3A_205 = arith.constant 1 : i32
        %parallel_loop3A_206 = arith.constant 0 : i32
        %parallel_loop3A_207 = arith.index_cast %parallel_loop3A_205 : i32 to index
        %parallel_loop3A_208 = arith.index_cast %parallel_loop3A_206 : i32 to index
        %parallel_loop3A_209 = arith.index_cast %parallel_loop3A_173 : i32 to index
        %parallel_loop3A_210 = arith.constant 16 : index
        %parallel_loop3A_211 = tpu.vector_load %arg7[%parallel_loop3A_207, %parallel_loop3A_208, %parallel_loop3A_209, %parallel_loop3A_210] {strides = array<i32>} : memref<2x2x50x64xf32, #tpu.memory_space<vmem>>, vector<1x1x1x16xf32>,
        %parallel_loop3A_212 = vector.shape_cast %parallel_loop3A_211 : vector<1x1x1x16xf32> to vector<16xf32>
        %parallel_loop3A_213 = vector.shape_cast %parallel_loop3A_204 : vector<16xf32> to vector<1x1x1x16xf32>
        tpu.vector_store %arg7[%parallel_loop3A_207, %parallel_loop3A_208, %parallel_loop3A_209, %parallel_loop3A_210], %parallel_loop3A_213 {strides = array<i32>} : memref<2x2x50x64xf32, #tpu.memory_space<vmem>>, vector<1x1x1x16xf32>,
        %parallel_loop3A_214 = arith.constant 0 : i32
        %parallel_loop3A_215 = arith.addi %parallel_loop3A_214, %parallel_loop3A_173 : i32
        %parallel_loop3A_216 = arith.constant 1 : i32
        %parallel_loop3A_217 = arith.index_cast %parallel_loop3A_216 : i32 to index
        %parallel_loop3A_218 = arith.index_cast %parallel_loop3A_215 : i32 to index
        %parallel_loop3A_219 = arith.constant 32 : index
        %parallel_loop3A_220 = tpu.vector_load %arg6[%parallel_loop3A_217, %parallel_loop3A_218, %parallel_loop3A_219] {strides = array<i32>} : memref<2x100x128xf32, #tpu.memory_space<vmem>>, vector<1x1x16xf32>,
        %parallel_loop3A_221 = vector.shape_cast %parallel_loop3A_220 : vector<1x1x16xf32> to vector<16xf32>
        %parallel_loop3A_222 = arith.constant 8.000000e+00 : f32
        %parallel_loop3A_223 = vector.broadcast %parallel_loop3A_222 : f32 to vector<16xf32>
        %parallel_loop3A_224 = arith.mulf %parallel_loop3A_221, %parallel_loop3A_223 : vector<16xf32>
        %parallel_loop3A_225 = arith.constant 1 : i32
        %parallel_loop3A_226 = arith.constant 0 : i32
        %parallel_loop3A_227 = arith.index_cast %parallel_loop3A_225 : i32 to index
        %parallel_loop3A_228 = arith.index_cast %parallel_loop3A_226 : i32 to index
        %parallel_loop3A_229 = arith.index_cast %parallel_loop3A_173 : i32 to index
        %parallel_loop3A_230 = arith.constant 32 : index
        %parallel_loop3A_231 = tpu.vector_load %arg7[%parallel_loop3A_227, %parallel_loop3A_228, %parallel_loop3A_229, %parallel_loop3A_230] {strides = array<i32>} : memref<2x2x50x64xf32, #tpu.memory_space<vmem>>, vector<1x1x1x16xf32>,
        %parallel_loop3A_232 = vector.shape_cast %parallel_loop3A_231 : vector<1x1x1x16xf32> to vector<16xf32>
        %parallel_loop3A_233 = vector.shape_cast %parallel_loop3A_224 : vector<16xf32> to vector<1x1x1x16xf32>
        tpu.vector_store %arg7[%parallel_loop3A_227, %parallel_loop3A_228, %parallel_loop3A_229, %parallel_loop3A_230], %parallel_loop3A_233 {strides = array<i32>} : memref<2x2x50x64xf32, #tpu.memory_space<vmem>>, vector<1x1x1x16xf32>,
        %parallel_loop3A_234 = arith.constant 0 : i32
        %parallel_loop3A_235 = arith.addi %parallel_loop3A_234, %parallel_loop3A_173 : i32
        %parallel_loop3A_236 = arith.constant 1 : i32
        %parallel_loop3A_237 = arith.index_cast %parallel_loop3A_236 : i32 to index
        %parallel_loop3A_238 = arith.index_cast %parallel_loop3A_235 : i32 to index
        %parallel_loop3A_239 = arith.constant 48 : index
        %parallel_loop3A_240 = tpu.vector_load %arg6[%parallel_loop3A_237, %parallel_loop3A_238, %parallel_loop3A_239] {strides = array<i32>} : memref<2x100x128xf32, #tpu.memory_space<vmem>>, vector<1x1x16xf32>,
        %parallel_loop3A_241 = vector.shape_cast %parallel_loop3A_240 : vector<1x1x16xf32> to vector<16xf32>
        %parallel_loop3A_242 = arith.constant 8.000000e+00 : f32
        %parallel_loop3A_243 = vector.broadcast %parallel_loop3A_242 : f32 to vector<16xf32>
        %parallel_loop3A_244 = arith.mulf %parallel_loop3A_241, %parallel_loop3A_243 : vector<16xf32>
        %parallel_loop3A_245 = arith.constant 1 : i32
        %parallel_loop3A_246 = arith.constant 0 : i32
        %parallel_loop3A_247 = arith.index_cast %parallel_loop3A_245 : i32 to index
        %parallel_loop3A_248 = arith.index_cast %parallel_loop3A_246 : i32 to index
        %parallel_loop3A_249 = arith.index_cast %parallel_loop3A_173 : i32 to index
        %parallel_loop3A_250 = arith.constant 48 : index
        %parallel_loop3A_251 = tpu.vector_load %arg7[%parallel_loop3A_247, %parallel_loop3A_248, %parallel_loop3A_249, %parallel_loop3A_250] {strides = array<i32>} : memref<2x2x50x64xf32, #tpu.memory_space<vmem>>, vector<1x1x1x16xf32>,
        %parallel_loop3A_252 = vector.shape_cast %parallel_loop3A_251 : vector<1x1x1x16xf32> to vector<16xf32>
        %parallel_loop3A_253 = vector.shape_cast %parallel_loop3A_244 : vector<16xf32> to vector<1x1x1x16xf32>
        tpu.vector_store %arg7[%parallel_loop3A_247, %parallel_loop3A_248, %parallel_loop3A_249, %parallel_loop3A_250], %parallel_loop3A_253 {strides = array<i32>} : memref<2x2x50x64xf32, #tpu.memory_space<vmem>>, vector<1x1x1x16xf32>,
      } {sc.loop_unroll_factor = 2 : i64, sc.parallel_access}
      %parallel_loop3A_147 = arith.constant 0 : i32
      %parallel_loop3A_148 = arith.constant 50 : i32
      %parallel_loop3A_149 = arith.constant 1 : i32
      scf.for %parallel_loop3A_173 = %parallel_loop3A_147 to %parallel_loop3A_148 step %parallel_loop3A_149  : i32 {
        %parallel_loop3A_174 = arith.constant 50 : i32
        %parallel_loop3A_175 = arith.addi %parallel_loop3A_174, %parallel_loop3A_173 : i32
        %parallel_loop3A_176 = arith.constant 1 : i32
        %parallel_loop3A_177 = arith.index_cast %parallel_loop3A_176 : i32 to index
        %parallel_loop3A_178 = arith.index_cast %parallel_loop3A_175 : i32 to index
        %parallel_loop3A_179 = arith.constant 0 : index
        %parallel_loop3A_180 = tpu.vector_load %arg6[%parallel_loop3A_177, %parallel_loop3A_178, %parallel_loop3A_179] {strides = array<i32>} : memref<2x100x128xf32, #tpu.memory_space<vmem>>, vector<1x1x16xf32>,
        %parallel_loop3A_181 = vector.shape_cast %parallel_loop3A_180 : vector<1x1x16xf32> to vector<16xf32>
        %parallel_loop3A_182 = arith.constant 8.000000e+00 : f32
        %parallel_loop3A_183 = vector.broadcast %parallel_loop3A_182 : f32 to vector<16xf32>
        %parallel_loop3A_184 = arith.mulf %parallel_loop3A_181, %parallel_loop3A_183 : vector<16xf32>
        %parallel_loop3A_185 = arith.constant 1 : i32
        %parallel_loop3A_186 = arith.constant 1 : i32
        %parallel_loop3A_187 = arith.index_cast %parallel_loop3A_185 : i32 to index
        %parallel_loop3A_188 = arith.index_cast %parallel_loop3A_186 : i32 to index
        %parallel_loop3A_189 = arith.index_cast %parallel_loop3A_173 : i32 to index
        %parallel_loop3A_190 = arith.constant 0 : index
        %parallel_loop3A_191 = tpu.vector_load %arg7[%parallel_loop3A_187, %parallel_loop3A_188, %parallel_loop3A_189, %parallel_loop3A_190] {strides = array<i32>} : memref<2x2x50x64xf32, #tpu.memory_space<vmem>>, vector<1x1x1x16xf32>,
        %parallel_loop3A_192 = vector.shape_cast %parallel_loop3A_191 : vector<1x1x1x16xf32> to vector<16xf32>
        %parallel_loop3A_193 = vector.shape_cast %parallel_loop3A_184 : vector<16xf32> to vector<1x1x1x16xf32>
        tpu.vector_store %arg7[%parallel_loop3A_187, %parallel_loop3A_188, %parallel_loop3A_189, %parallel_loop3A_190], %parallel_loop3A_193 {strides = array<i32>} : memref<2x2x50x64xf32, #tpu.memory_space<vmem>>, vector<1x1x1x16xf32>,
        %parallel_loop3A_194 = arith.constant 50 : i32
        %parallel_loop3A_195 = arith.addi %parallel_loop3A_194, %parallel_loop3A_173 : i32
        %parallel_loop3A_196 = arith.constant 1 : i32
        %parallel_loop3A_197 = arith.index_cast %parallel_loop3A_196 : i32 to index
        %parallel_loop3A_198 = arith.index_cast %parallel_loop3A_195 : i32 to index
        %parallel_loop3A_199 = arith.constant 16 : index
        %parallel_loop3A_200 = tpu.vector_load %arg6[%parallel_loop3A_197, %parallel_loop3A_198, %parallel_loop3A_199] {strides = array<i32>} : memref<2x100x128xf32, #tpu.memory_space<vmem>>, vector<1x1x16xf32>,
        %parallel_loop3A_201 = vector.shape_cast %parallel_loop3A_200 : vector<1x1x16xf32> to vector<16xf32>
        %parallel_loop3A_202 = arith.constant 8.000000e+00 : f32
        %parallel_loop3A_203 = vector.broadcast %parallel_loop3A_202 : f32 to vector<16xf32>
        %parallel_loop3A_204 = arith.mulf %parallel_loop3A_201, %parallel_loop3A_203 : vector<16xf32>
        %parallel_loop3A_205 = arith.constant 1 : i32
        %parallel_loop3A_206 = arith.constant 1 : i32
        %parallel_loop3A_207 = arith.index_cast %parallel_loop3A_205 : i32 to index
        %parallel_loop3A_208 = arith.index_cast %parallel_loop3A_206 : i32 to index
        %parallel_loop3A_209 = arith.index_cast %parallel_loop3A_173 : i32 to index
        %parallel_loop3A_210 = arith.constant 16 : index
        %parallel_loop3A_211 = tpu.vector_load %arg7[%parallel_loop3A_207, %parallel_loop3A_208, %parallel_loop3A_209, %parallel_loop3A_210] {strides = array<i32>} : memref<2x2x50x64xf32, #tpu.memory_space<vmem>>, vector<1x1x1x16xf32>,
        %parallel_loop3A_212 = vector.shape_cast %parallel_loop3A_211 : vector<1x1x1x16xf32> to vector<16xf32>
        %parallel_loop3A_213 = vector.shape_cast %parallel_loop3A_204 : vector<16xf32> to vector<1x1x1x16xf32>
        tpu.vector_store %arg7[%parallel_loop3A_207, %parallel_loop3A_208, %parallel_loop3A_209, %parallel_loop3A_210], %parallel_loop3A_213 {strides = array<i32>} : memref<2x2x50x64xf32, #tpu.memory_space<vmem>>, vector<1x1x1x16xf32>,
        %parallel_loop3A_214 = arith.constant 50 : i32
        %parallel_loop3A_215 = arith.addi %parallel_loop3A_214, %parallel_loop3A_173 : i32
        %parallel_loop3A_216 = arith.constant 1 : i32
        %parallel_loop3A_217 = arith.index_cast %parallel_loop3A_216 : i32 to index
        %parallel_loop3A_218 = arith.index_cast %parallel_loop3A_215 : i32 to index
        %parallel_loop3A_219 = arith.constant 32 : index
        %parallel_loop3A_220 = tpu.vector_load %arg6[%parallel_loop3A_217, %parallel_loop3A_218, %parallel_loop3A_219] {strides = array<i32>} : memref<2x100x128xf32, #tpu.memory_space<vmem>>, vector<1x1x16xf32>,
        %parallel_loop3A_221 = vector.shape_cast %parallel_loop3A_220 : vector<1x1x16xf32> to vector<16xf32>
        %parallel_loop3A_222 = arith.constant 8.000000e+00 : f32
        %parallel_loop3A_223 = vector.broadcast %parallel_loop3A_222 : f32 to vector<16xf32>
        %parallel_loop3A_224 = arith.mulf %parallel_loop3A_221, %parallel_loop3A_223 : vector<16xf32>
        %parallel_loop3A_225 = arith.constant 1 : i32
        %parallel_loop3A_226 = arith.constant 1 : i32
        %parallel_loop3A_227 = arith.index_cast %parallel_loop3A_225 : i32 to index
        %parallel_loop3A_228 = arith.index_cast %parallel_loop3A_226 : i32 to index
        %parallel_loop3A_229 = arith.index_cast %parallel_loop3A_173 : i32 to index
        %parallel_loop3A_230 = arith.constant 32 : index
        %parallel_loop3A_231 = tpu.vector_load %arg7[%parallel_loop3A_227, %parallel_loop3A_228, %parallel_loop3A_229, %parallel_loop3A_230] {strides = array<i32>} : memref<2x2x50x64xf32, #tpu.memory_space<vmem>>, vector<1x1x1x16xf32>,
        %parallel_loop3A_232 = vector.shape_cast %parallel_loop3A_231 : vector<1x1x1x16xf32> to vector<16xf32>
        %parallel_loop3A_233 = vector.shape_cast %parallel_loop3A_224 : vector<16xf32> to vector<1x1x1x16xf32>
        tpu.vector_store %arg7[%parallel_loop3A_227, %parallel_loop3A_228, %parallel_loop3A_229, %parallel_loop3A_230], %parallel_loop3A_233 {strides = array<i32>} : memref<2x2x50x64xf32, #tpu.memory_space<vmem>>, vector<1x1x1x16xf32>,
        %parallel_loop3A_234 = arith.constant 50 : i32
        %parallel_loop3A_235 = arith.addi %parallel_loop3A_234, %parallel_loop3A_173 : i32
        %parallel_loop3A_236 = arith.constant 1 : i32
        %parallel_loop3A_237 = arith.index_cast %parallel_loop3A_236 : i32 to index
        %parallel_loop3A_238 = arith.index_cast %parallel_loop3A_235 : i32 to index
        %parallel_loop3A_239 = arith.constant 48 : index
        %parallel_loop3A_240 = tpu.vector_load %arg6[%parallel_loop3A_237, %parallel_loop3A_238, %parallel_loop3A_239] {strides = array<i32>} : memref<2x100x128xf32, #tpu.memory_space<vmem>>, vector<1x1x16xf32>,
        %parallel_loop3A_241 = vector.shape_cast %parallel_loop3A_240 : vector<1x1x16xf32> to vector<16xf32>
        %parallel_loop3A_242 = arith.constant 8.000000e+00 : f32
        %parallel_loop3A_243 = vector.broadcast %parallel_loop3A_242 : f32 to vector<16xf32>
        %parallel_loop3A_244 = arith.mulf %parallel_loop3A_241, %parallel_loop3A_243 : vector<16xf32>
        %parallel_loop3A_245 = arith.constant 1 : i32
        %parallel_loop3A_246 = arith.constant 1 : i32
        %parallel_loop3A_247 = arith.index_cast %parallel_loop3A_245 : i32 to index
        %parallel_loop3A_248 = arith.index_cast %parallel_loop3A_246 : i32 to index
        %parallel_loop3A_249 = arith.index_cast %parallel_loop3A_173 : i32 to index
        %parallel_loop3A_250 = arith.constant 48 : index
        %parallel_loop3A_251 = tpu.vector_load %arg7[%parallel_loop3A_247, %parallel_loop3A_248, %parallel_loop3A_249, %parallel_loop3A_250] {strides = array<i32>} : memref<2x2x50x64xf32, #tpu.memory_space<vmem>>, vector<1x1x1x16xf32>,
        %parallel_loop3A_252 = vector.shape_cast %parallel_loop3A_251 : vector<1x1x1x16xf32> to vector<16xf32>
        %parallel_loop3A_253 = vector.shape_cast %parallel_loop3A_244 : vector<16xf32> to vector<1x1x1x16xf32>
        tpu.vector_store %arg7[%parallel_loop3A_247, %parallel_loop3A_248, %parallel_loop3A_249, %parallel_loop3A_250], %parallel_loop3A_253 {strides = array<i32>} : memref<2x2x50x64xf32, #tpu.memory_space<vmem>>, vector<1x1x1x16xf32>,
      } {sc.loop_unroll_factor = 2 : i64, sc.parallel_access}
      %lt3A_150 = arith.constant 127 : i32
      %lt3A_151 = arith.cmpi slt, %scan3A_67, %lt3A_150 : i32
      %convert_element_type3A_152 = arith.extui %lt3A_151 : i1 to i32
      %cond3A_153 = arith.constant 0 : i32
      %cond3A_154 = arith.cmpi ne, %convert_element_type3A_152, %cond3A_153 : i32
      scf.if %cond3A_154 {
        %add3A_173 = arith.constant 2 : i32
        %add3A_174 = arith.addi %add3A_121, %add3A_173 : i32
        %dma_start3A_175 = arith.constant 1 : i32
        %dma_start3A_176 = arith.constant 0 : i32
        %dma_start3A_177 = arith.constant 0 : i32
        %dma_start3A_178 = tpu.memref_slice %arg6[%dma_start3A_175, %dma_start3A_176, %dma_start3A_177] : memref<2x100x128xf32, #tpu.memory_space<vmem>> -> memref<1x100x128xf32, #tpu.memory_space<vmem>>
        %dma_start3A_179 = tpu.memref_squeeze %dma_start3A_178 : memref<1x100x128xf32, #tpu.memory_space<vmem>> -> memref<100x128xf32, #tpu.memory_space<vmem>>
        %dma_start3A_180 = arith.constant 0 : i32
        %dma_start3A_181 = tpu.memref_slice %arg5[%add3A_174, %dma_start3A_180] : memref<256x100xi32, #tpu.memory_space<vmem>> -> memref<1x100xi32, #tpu.memory_space<vmem>>
        %dma_start3A_182 = tpu.memref_squeeze %dma_start3A_181 : memref<1x100xi32, #tpu.memory_space<vmem>> -> memref<100xi32, #tpu.memory_space<vmem>>
        %dma_start3A_183 = arith.constant 0 : i32
        %dma_start3A_184 = arith.constant 0 : i32
        %dma_start3A_185 = tpu.memref_slice %arg2[%dma_start3A_183, %dma_start3A_184] : memref<1000000x128xf32, #tpu.memory_space<hbm>> -> memref<1000000x128xf32, #tpu.memory_space<hbm>>
        tpu.enqueue_indirect_dma source(%dma_start3A_185 : memref<1000000x128xf32, #tpu.memory_space<hbm>>) target(%dma_start3A_179 : memref<100x128xf32, #tpu.memory_space<vmem>>) offsets(%dma_start3A_182 : memref<100xi32, #tpu.memory_space<vmem>>) semaphore(%arg9 : memref<!tpu.dma_semaphore, #tpu.memory_space<semaphore_mem>>)
      } else {
      }
      %dma_start3A_155 = arith.constant 1 : i32
      %dma_start3A_156 = arith.constant 0 : i32
      %dma_start3A_157 = arith.constant 0 : i32
      %dma_start3A_158 = arith.constant 0 : i32
      %dma_start3A_159 = tpu.memref_slice %arg7[%dma_start3A_155, %dma_start3A_156, %dma_start3A_157, %dma_start3A_158] : memref<2x2x50x64xf32, #tpu.memory_space<vmem>> -> memref<1x2x50x64xf32, #tpu.memory_space<vmem>>
      %dma_start3A_160 = tpu.memref_squeeze %dma_start3A_159 : memref<1x2x50x64xf32, #tpu.memory_space<vmem>> -> memref<2x50x64xf32, #tpu.memory_space<vmem>>
      %dma_start3A_161 = arith.constant 0 : i32
      %dma_start3A_162 = arith.constant 0 : i32
      %dma_start3A_163 = tpu.memref_slice %arg4[%add3A_126, %dma_start3A_161, %dma_start3A_162] : memref<16384x50x64xf32, #tpu.memory_space<hbm>> -> memref<2x50x64xf32, #tpu.memory_space<hbm>>
      %dma_start3A_164 = arith.constant 0 : i32
      %dma_start3A_165 = arith.constant 0 : i32
      %dma_start3A_166 = tpu.memref_slice %arg4[%add3A_126, %dma_start3A_164, %dma_start3A_165] : memref<16384x50x64xf32, #tpu.memory_space<hbm>> -> memref<2x50x64xf32, #tpu.memory_space<hbm>>
      %dma_start3A_167 = arith.constant 0 : i32
      %dma_start3A_168 = arith.constant 0 : i32
      %dma_start3A_169 = arith.constant 0 : i32
      %dma_start3A_170 = tpu.memref_slice %arg7[%dma_start3A_155, %dma_start3A_167, %dma_start3A_168, %dma_start3A_169] : memref<2x2x50x64xf32, #tpu.memory_space<vmem>> -> memref<1x2x50x64xf32, #tpu.memory_space<vmem>>
      %dma_start3A_171 = tpu.memref_squeeze %dma_start3A_170 : memref<1x2x50x64xf32, #tpu.memory_space<vmem>> -> memref<2x50x64xf32, #tpu.memory_space<vmem>>
      tpu.enqueue_dma source(%dma_start3A_171 : memref<2x50x64xf32, #tpu.memory_space<vmem>>) target(%dma_start3A_166 : memref<2x50x64xf32, #tpu.memory_space<hbm>>) target_semaphore(%arg11 : memref<!tpu.dma_semaphore, #tpu.memory_space<semaphore_mem>>)
      %scan3A_172 = arith.constant 0 : i32
      scf.yield %scan3A_172 : i32
    }
    %scan3A_29 = arith.constant 128 : i32
    %dma_wait3A = arith.constant 0 : i32
    %dma_wait3A_30 = arith.constant 0 : i32
    %dma_wait3A_31 = arith.constant 0 : i32
    %dma_wait3A_32 = arith.constant 0 : i32
    %dma_wait3A_33 = tpu.memref_slice %arg7[%dma_wait3A, %dma_wait3A_30, %dma_wait3A_31, %dma_wait3A_32] : memref<2x2x50x64xf32, #tpu.memory_space<vmem>> -> memref<1x2x50x64xf32, #tpu.memory_space<vmem>>
    %dma_wait3A_34 = tpu.memref_squeeze %dma_wait3A_33 : memref<1x2x50x64xf32, #tpu.memory_space<vmem>> -> memref<2x50x64xf32, #tpu.memory_space<vmem>>
    %dma_wait3A_35 = arith.constant 0 : i32
    %dma_wait3A_36 = arith.constant 0 : i32
    %dma_wait3A_37 = arith.constant 0 : i32
    %dma_wait3A_38 = tpu.memref_slice %arg4[%dma_wait3A_35, %dma_wait3A_36, %dma_wait3A_37] : memref<16384x50x64xf32, #tpu.memory_space<hbm>> -> memref<2x50x64xf32, #tpu.memory_space<hbm>>
    %dma_wait3A_39 = arith.constant 0 : i32
    %dma_wait3A_40 = arith.constant 0 : i32
    %dma_wait3A_41 = arith.constant 0 : i32
    %dma_wait3A_42 = tpu.memref_slice %arg4[%dma_wait3A_39, %dma_wait3A_40, %dma_wait3A_41] : memref<16384x50x64xf32, #tpu.memory_space<hbm>> -> memref<2x50x64xf32, #tpu.memory_space<hbm>>
    %dma_wait3A_43 = arith.constant 0 : i32
    %dma_wait3A_44 = arith.constant 0 : i32
    %dma_wait3A_45 = arith.constant 0 : i32
    %dma_wait3A_46 = tpu.memref_slice %arg7[%dma_wait3A, %dma_wait3A_43, %dma_wait3A_44, %dma_wait3A_45] : memref<2x2x50x64xf32, #tpu.memory_space<vmem>> -> memref<1x2x50x64xf32, #tpu.memory_space<vmem>>
    %dma_wait3A_47 = tpu.memref_squeeze %dma_wait3A_46 : memref<1x2x50x64xf32, #tpu.memory_space<vmem>> -> memref<2x50x64xf32, #tpu.memory_space<vmem>>
    tpu.wait_dma2 semaphore(%arg10 : memref<!tpu.dma_semaphore, #tpu.memory_space<semaphore_mem>>) src(%dma_wait3A_47 : memref<2x50x64xf32, #tpu.memory_space<vmem>>) dst(%dma_wait3A_42 : memref<2x50x64xf32, #tpu.memory_space<hbm>>)
    %dma_wait3A_48 = arith.constant 1 : i32
    %dma_wait3A_49 = arith.constant 0 : i32
    %dma_wait3A_50 = arith.constant 0 : i32
    %dma_wait3A_51 = arith.constant 0 : i32
    %dma_wait3A_52 = tpu.memref_slice %arg7[%dma_wait3A_48, %dma_wait3A_49, %dma_wait3A_50, %dma_wait3A_51] : memref<2x2x50x64xf32, #tpu.memory_space<vmem>> -> memref<1x2x50x64xf32, #tpu.memory_space<vmem>>
    %dma_wait3A_53 = tpu.memref_squeeze %dma_wait3A_52 : memref<1x2x50x64xf32, #tpu.memory_space<vmem>> -> memref<2x50x64xf32, #tpu.memory_space<vmem>>
    %dma_wait3A_54 = arith.constant 0 : i32
    %dma_wait3A_55 = arith.constant 0 : i32
    %dma_wait3A_56 = arith.constant 0 : i32
    %dma_wait3A_57 = tpu.memref_slice %arg4[%dma_wait3A_54, %dma_wait3A_55, %dma_wait3A_56] : memref<16384x50x64xf32, #tpu.memory_space<hbm>> -> memref<2x50x64xf32, #tpu.memory_space<hbm>>
    %dma_wait3A_58 = arith.constant 0 : i32
    %dma_wait3A_59 = arith.constant 0 : i32
    %dma_wait3A_60 = arith.constant 0 : i32
    %dma_wait3A_61 = tpu.memref_slice %arg4[%dma_wait3A_58, %dma_wait3A_59, %dma_wait3A_60] : memref<16384x50x64xf32, #tpu.memory_space<hbm>> -> memref<2x50x64xf32, #tpu.memory_space<hbm>>
    %dma_wait3A_62 = arith.constant 0 : i32
    %dma_wait3A_63 = arith.constant 0 : i32
    %dma_wait3A_64 = arith.constant 0 : i32
    %dma_wait3A_65 = tpu.memref_slice %arg7[%dma_wait3A_48, %dma_wait3A_62, %dma_wait3A_63, %dma_wait3A_64] : memref<2x2x50x64xf32, #tpu.memory_space<vmem>> -> memref<1x2x50x64xf32, #tpu.memory_space<vmem>>
    %dma_wait3A_66 = tpu.memref_squeeze %dma_wait3A_65 : memref<1x2x50x64xf32, #tpu.memory_space<vmem>> -> memref<2x50x64xf32, #tpu.memory_space<vmem>>
    tpu.wait_dma2 semaphore(%arg11 : memref<!tpu.dma_semaphore, #tpu.memory_space<semaphore_mem>>) src(%dma_wait3A_66 : memref<2x50x64xf32, #tpu.memory_space<vmem>>) dst(%dma_wait3A_61 : memref<2x50x64xf32, #tpu.memory_space<hbm>>)
    return
  }
}

</mosaic_0001>

<sc_bundles>
// kernel: kernel.3.cloned.1.call-start
scs
__scs_entry_jumppad:
0x0: {  	(pc) =	sbr.rel $0x88, $3  }
0x1: {  	(tag) =	ssettag $0x0;
	lr =	simm.s32 $0x1  }
0x2: {  	[smem:$0x3F9F] =	sst lr;
	_ =	strace $0xD0000000  }
0x3: {  	_ = 	snop  }
0x4: {  	_ = 	snop  }
0x5: {  	_ = 	snop  }
0x6: {  	_ = 	snop  }
0x7: {  	_ = 	snop  }
__scs_overlays_trampoline_lowered:
0x8: {  	[smem:$0x3FAE] =	sst s0  }
0x9: {  	[smem:$0x3FAF] =	sst s1  }
0xa: {  	[smem:$0x3FB0] =	sst s2  }
0xb: {  	[smem:$0x3FB1] =	sst s3  }
0xc: {  	[smem:$0x3FB2] =	sst s4  }
0xd: {  	[smem:$0x3FB3] =	sst s5  }
0xe: {  	[smem:$0x3FB4] =	sst s6  }
0xf: {  	[smem:$0x3FB5] =	sst s7  }
0x10: {  	[smem:$0x3FB6] =	sst s8  }
0x11: {  	[smem:$0x3FB7] =	sst s9;
	s0 =	simm.s32 @!p0 $0x0  }
0x12: {  	s1 =	sld [smem:$0x3F9D];
	s0 =	simm.s32 @p0 $0x1  }
0x13: {  	[smem:$0x3FB8] =	sst s0;
	s0 =	simm.s32 @!p1 $0x0  }
0x14: {  	s2 =	sld [smem:$0x3F9C];
	s0 =	simm.s32 @p1 $0x1  }
0x15: {  	[smem:$0x3FB9] =	sst s0;
	s0 =	simm.s32 @!p2 $0x0  }
0x16: {  	s3 =	sld [smem:$0x3FDB];
	s0 =	simm.s32 @p2 $0x1  }
0x17: {  	s4 =	simm.s32 $0x1BF5;
	[smem:$0x3FBB] =	sst s0  }
0x18: {  	s0 =	sld [smem:$0x3F9E];
	_ =	swait.ge [sflag:s4], $0x0  }
0x19: {  	s7 =	sld [smem:$0x3F9F]  }
0x1a: {  	s8 =	sadd.s32 $0xFFFFE003, lr  }
0x1b: {  	s9 =	sadd.s32 $0xFFFFFEF7, lr;
	s5 =	simm.s32 $0xFFFFFFFF;
	p2 =	slt.u32 s8, $0xFFFFF086  }
0x1c: {  	p1 =	slt.u32 s9, $0xF7A;
	s5 =	simm.s32 @!p2 $0x0  }
0x1d: {  	s5 =	simm.s32 @p1 $0x1;
	p0 =	seq.s32 s7, s2  }
0x1e: {  	s7 =	smul.u32 @!p0 $0xF7A, s2;
	p2 =	seq.s32 @!p0 s5, $0x0  }
0x1f: {  	s9 =	smul.u32 $0xF7A, s1;
	s8 =	simm.s32 @!p0 $0x1BF5;
	p2 =	por !p2, p0  }
0x20: {  	[sflag:s8] =	ssyncset.s32 @!p0 $0xFFFFF086;
	s6 =	sadd.s32 @!p0 s3, s7;
	s7 =	simm.s32 @!p0 $0x108  }
0x21: {  	s3 =	sadd.s32 s3, s9;
	s6 =	sadd.s32 @!p0 $0x88, s6;
	s7 =	simm.s32 @p2 $0x1082  }
0x22: {  	[simem:s7], [sflag:s8] =	dma.local @!p0 [hbm:s6], $0xF7A  }
0x23: {  	s9 =	sor.u32 $0xD0000000, s2;
	s6 =	simm.s32 $0x108;
	_ =	swait.ge @!p0 [sflag:s8], $0x0  }
0x24: {  	s3 =	sadd.s32 $0x88, s3;
	s6 =	simm.s32 @!p1 $0x1082;
	[sflag:s4] =	ssyncset.s32 $0xFFFFF086  }
0x25: {  	[simem:s6], [sflag:s4] =	dma.local [hbm:s3], $0xF7A  }
0x26: {  	[smem:$0x3F9F] =	sst s1;
	(tag) =	ssettag s2;
	_ =	strace s9  }
0x27: {  	s1 =	sld [smem:$0x3FAF]  }
0x28: {  	s2 =	sld [smem:$0x3FB0]  }
0x29: {  	s4 =	sld [smem:$0x3FB2]  }
0x2a: {  	p0 =	seq.s32 s5, $0x0;
	s5 =	sld [smem:$0x3FB3]  }
0x2b: {  	s6 =	sld [smem:$0x3FB4]  }
0x2c: {  	s7 =	sld [smem:$0x3FB5]  }
0x2d: {  	s3 =	simm.s32 $0x108;
	s8 =	sld [smem:$0x3FB6]  }
0x2e: {  	s3 =	simm.s32 @!p0 $0x1082;
	s9 =	sld [smem:$0x3FB7]  }
0x2f: {  	lr =	sadd.s32 s0, s3;
	s0 =	sld [smem:$0x3FAE]  }
0x30: {  	s3 =	sld [smem:$0x3FB1]  }
0x31: {  	[smem:$0x3FBA] =	sst s10  }
0x32: {  	s10 =	sld [smem:$0x3FB8];
	_ =	sdelay $0x3  }
0x33: {  	p0 =	seq.s32 s10, $0x1;
	s10 =	sld [smem:$0x3FBA];
	_ =	sdelay $0x3  }
0x34: {  	[smem:$0x3FBA] =	sst s10  }
0x35: {  	s10 =	sld [smem:$0x3FB9];
	_ =	sdelay $0x3  }
0x36: {  	p1 =	seq.s32 s10, $0x1;
	s10 =	sld [smem:$0x3FBA];
	_ =	sdelay $0x3  }
0x37: {  	[smem:$0x3FBA] =	sst s10  }
0x38: {  	s10 =	sld [smem:$0x3FBB]  }
0x39: {  	_ = 	snop;
	(pc) =	sbr.ind lr, $3  }
0x3a: {  	_ = 	snop  }
0x3b: {  	_ = 	snop  }
0x3c: {  	p2 =	seq.s32 s10, $0x1;
	s10 =	sld [smem:$0x3FBA]  }
0x3d: {  	_ =	shalt  }
0x3e: {  	_ =	shalt  }
0x3f: {  	_ =	shalt  }
0x40: {  	_ =	shalt  }
0x41: {  	_ =	shalt  }
0x42: {  	_ =	shalt  }
0x43: {  	_ =	shalt  }
0x44: {  	_ =	shalt  }
0x45: {  	_ =	shalt  }
0x46: {  	_ =	shalt  }
0x47: {  	_ =	shalt  }
0x48: {  	_ =	shalt  }
0x49: {  	_ =	shalt  }
0x4a: {  	_ =	shalt  }
0x4b: {  	_ =	shalt  }
0x4c: {  	_ =	shalt  }
0x4d: {  	_ =	shalt  }
0x4e: {  	_ =	shalt  }
0x4f: {  	_ =	shalt  }
0x50: {  	_ =	shalt  }
0x51: {  	_ =	shalt  }
0x52: {  	_ =	shalt  }
0x53: {  	_ =	shalt  }
0x54: {  	_ =	shalt  }
0x55: {  	_ =	shalt  }
0x56: {  	_ =	shalt  }
0x57: {  	_ =	shalt  }
0x58: {  	_ =	shalt  }
0x59: {  	_ =	shalt  }
0x5a: {  	_ =	shalt  }
0x5b: {  	_ =	shalt  }
0x5c: {  	_ =	shalt  }
0x5d: {  	_ =	shalt  }
0x5e: {  	_ =	shalt  }
0x5f: {  	_ =	shalt  }
0x60: {  	_ =	shalt  }
0x61: {  	_ =	shalt  }
0x62: {  	_ =	shalt  }
0x63: {  	_ =	shalt  }
0x64: {  	_ =	shalt  }
0x65: {  	_ =	shalt  }
0x66: {  	_ =	shalt  }
0x67: {  	_ =	shalt  }
0x68: {  	_ =	shalt  }
0x69: {  	_ =	shalt  }
0x6a: {  	_ =	shalt  }
0x6b: {  	_ =	shalt  }
0x6c: {  	_ =	shalt  }
0x6d: {  	_ =	shalt  }
0x6e: {  	_ =	shalt  }
0x6f: {  	_ =	shalt  }
0x70: {  	_ =	shalt  }
0x71: {  	_ =	shalt  }
0x72: {  	_ =	shalt  }
0x73: {  	_ =	shalt  }
0x74: {  	_ =	shalt  }
0x75: {  	_ =	shalt  }
0x76: {  	_ =	shalt  }
0x77: {  	_ =	shalt  }
0x78: {  	_ =	shalt  }
0x79: {  	_ =	shalt  }
0x7a: {  	_ =	shalt  }
0x7b: {  	_ =	shalt  }
0x7c: {  	_ =	shalt  }
0x7d: {  	_ =	shalt  }
0x7e: {  	_ =	shalt  }
0x7f: {  	_ =	shalt  }
0x80: {  	_ =	shalt  }
0x81: {  	_ =	shalt  }
0x82: {  	_ =	shalt  }
0x83: {  	_ =	shalt  }
0x84: {  	_ =	shalt  }
0x85: {  	_ =	shalt  }
0x86: {  	_ =	shalt  }
0x87: {  	_ =	shalt  }
.Lfunc_end0:
.L_simem_size_0:
called_computation_lowered:
.L_overlay_start_0:
0x88: {  	s2 =	sld [smem:$0x3FD9]  }
0x89: {  	s3 =	sld [smem:$0x3FFE];
	_ =	sdelay $0x1  }
0x8a: {  	s1 =	srdreg.scid  }
0x8b: {  	s0 =	sand.u32 $0x1, s1  }
0x8c: {  	s17 =	sshll.u32 s0, $0xA;
	s2 =	sadd.s32 s3, s2  }
0x8d: {  	s2 =	sadd.s32 s2, s17  }
0x8e: {  	[smem:$0x3FC6] =	sst s2  }
0x8f: {  	_ = 	snop  }
0x90: {  	s2 =	sld [smem:$0x3FD0];
	(tm) =	ssettm $0x1  }
0x91: {  	s18 =	sld [smem:$0x3FFB];
	_ =	sdelay $0x3  }
0x92: {  	_ =	strace s18  }
0x93: {  	s3 =	sld [smem:$0x3FFC];
	_ =	sdelay $0x3  }
0x94: {  	_ =	strace s3  }
0x95: {  	s3 =	sld [smem:$0x3FFD];
	_ =	sdelay $0x3  }
0x96: {  	_ =	strace s3  }
0x97: {  	_ =	strace $0x8FFFFFFF  }
0x98: {  	s19 =	sld [smem:$0x3FDB];
	_ =	sdelay $0x1  }
0x99: {  	s4 =	simm.s32 $_scs_section_size  }
0x9a: {  	s5 =	simm.s32 $_size__tile_overlayer_lowered;
	s6 =	simm.s32 $_tile_overlayer_lowered  }
0x9b: {  	s22 =	simm.s32 $0x1BFF;
	s21 =	sshll.u32 s6, $0x1;
	s3 =	sadd.s32 s4, s19  }
0x9c: {  	s7 =	simm.s32 $0x0;
	s20 =	sshll.u32 s5, $0x1;
	s5 =	sadd.s32 s21, s3  }
0x9d: {  	[timem:s7], [sflag:s22] =	dma.local [hbm:s5], s20  }
0x9e: {  	_ =	swait.ge [sflag:s22], s20  }
0x9f: {  	s4 =	ssub.s32 $0x0, s20;
	[sflag:s22] =	ssyncset.done $0x0  }
0xa0: {  	[sflag:s22] =	ssyncadd.s32 s4;
	_ =	sdelay $0x1  }
0xa1: {  	s23 =	simm.s32 $0x1B8B  }
0xa2: {  	_ =	swait.ge [sflag:s23], $0x1  }
0xa3: {  	[sflag:s23] =	ssyncset.done $0x0  }
0xa4: {  	s25 =	simm.s32 $0x1B8E;
	s24 =	sld [smem:$0x3FFE];
	[sflag:s23] =	ssyncadd.s32 $0xFFFFFFFF  }
0xa5: {  	s26 =	simm.s32 $execute0_lowered;
	[smem:$0x3FD2] =	sst s25  }
0xa6: {  	s5 =	sshll.u32 s26, $0x1;
	_ =	strace $0x80000046;
	[dreg:$0x1] =	wrdreg $0xFFFFFFFF  }
0xa7: {  	s28 =	simm.s32 $_size_execute0_lowered;
	s3 =	sadd.s32 s3, s5;
	[dreg:$0x0] =	wrdreg $0x0  }
0xa8: {  	s5 =	sshll.u32 s28, $0x1;
	[dreg:$0x2] =	wrdreg s3  }
0xa9: {  	[dreg:$0x3] =	wrdreg s5  }
0xaa: {  	[dreg:$0x4] =	wrdreg $0xC0  }
0xab: {  	_ =	task [dreg:s7], $0x5FFFF  }
0xac: {  	[dreg:$0x1] =	wrdreg $0xFFFFFFFF  }
0xad: {  	[dreg:$0x0] =	wrdreg $0x60  }
0xae: {  	[dreg:$0x2] =	wrdreg s24  }
0xaf: {  	[dreg:$0x3] =	wrdreg s2  }
0xb0: {  	[dreg:$0x4] =	wrdreg $0x9  }
0xb1: {  	_ =	task.clear_ibuf [dreg:s7], $0x5FFFF;
	_ =	strace $0x90000046  }
0xb2: {  	s29 =	simm.s32 $0x9;
	_ =	strace $0x80000048  }
0xb3: {  	_ =	swait.ge [sflag:s29], $0x1  }
0xb4: {  	[sflag:s29] =	ssyncadd.s32 $0xFFFFFFFF  }
0xb5: {  	_ =	strace $0x90000048  }
0xb6: {  	_ =	sfence  }
0xb7: {  	s30 =	sld [smem:$0x0];
	_ =	sdelay $0x2  }
0xb8: {  	s31 =	sshll.u32 s1, $0xD;
	s1 =	sshrl.u32 s1, $0x2  }
0xb9: {  	s3 =	sand.u32 $0x4000, s31;
	s1 =	sadd.s32 s1, s30  }
0xba: {  	s0 =	sor.u32 s3, s0;
	s1 =	sshll.u32 s1, $0x11  }
0xbb: {  	s0 =	sor.u32 s1, s0  }
0xbc: {  	s0 =	sadd.s32 $0x8F2B, s0  }
0xbd: {  	[sflag:s0] =	ssyncadd.remote.s32 $0x1  }
0xbe: {  	_ =	sfence.sel $0xFFFF  }
0xbf: {  	[dreg:$0x0] =	wrdreg $0xFFFFFFFF;
	(pc) =	sbr.abs _section_cstart, $3  }
0xc0: {  	[dreg:$0x1] =	wrdreg $0xFFFFFFFF  }
0xc1: {  	_ =	task.clear_ibuf [dreg:s7], $0x2FFFF;
	_ =	strace $0x9FFFFFFF  }
0xc2: {  	(tm) =	ssettm $0x7FFFFFFF  }
0xc3: {  	_ =	shalt  }
tec
execute0_lowered:
.L_overlay_start_1:
0x0: {  	(tag) =	ssettag $0x1  }
0x1: {  	s0 =	rddreg [dreg:$0x0]  }
0x2: {  	s1 =	rddreg [dreg:$0x1];
	s2 =	simm.s32 $0x0  }
0x3: {  	s3 =	srdreg.scid;
	s5 =	stileid.u32;
	s8 =	simm.s32 $0x5  }
0x4: {  	s13 =	simm.s32 $0x1;
	s14 =	simm.s32 $0xE800;
	s15 =	simm.s32 $0x10400  }
0x5: {  	s16 =	simm.s32 $0x2;
	s17 =	simm.s32 $0x12000;
	s18 =	simm.s32 $0x13C00  }
0x6: {  	s19 =	simm.s32 $0x3;
	s20 =	simm.s32 $0x4;
	s21 =	simm.s32 $0x0  }
0x7: {  	[smem:$0x7FF] =	sst s2;
	s4 =	sand.u32 $0x1, s3;
	s5 =	sshll.u32 s5, $0x1  }
0x8: {  	s3 =	sadd.s32 $0xF42A00, s0;
	s6 =	ssub.s32 $0x2, s4;
	s7 =	sor.u32 s4, s5  }
0x9: {  	_ =	strace $0x80000047;
	s31 =	sshrl.u32 s6, $0x1;
	s5 =	sshll.u32 s7, $0xC  }
0xa: {  	s4 =	sadd.s32 $0x600, s0;
	s0 =	ssub.s32 s6, s31;
	s1 =	sadd.s32 s1, s5  }
0xb: {  	s6 =	sshll.u32 s7, $0x9;
	[dreg:$0x3] =	wrdreg s1;
	s7 =	smax.u32 s0, $0x1  }
.LBB2_1:
0xc: {  	s0 =	rddreg [dreg:$0x3]  }
0xd: {  	[tilespmem:s2], [sflag:$0x5] =	stream.linear.gather [hbm4b:s0+s2], $0x8000, $0x38;
	[tilespmem:$0x15800] =	vst v63  }
0xe: {  	_ =	swait.ge [sflag:s8], $0x8000  }
0xf: {  	[sflag:s8] =	ssyncset.done $0x0  }
0x10: {  	s30 =	simm.s32 $0x64;
	s1 =	simm.s32 $0x8000;
	[sflag:s8] =	ssyncadd.s32 $0xFFFF8000  }
0x11: {  	[tilespmem:s1], [sflag:$0x1] =	stream.indirect.gather [hbm4b:s3+s30], $0x80, s2, s30, $0xb8;
	[tilespmem:$0x15800] =	vst v63  }
0x12: {  	s31 =	simm.s32 $0x80;
	s5 =	simm.s32 $0xB400;
	s22 =	simm.s32 $0x0  }
0x13: {  	[tilespmem:s5], [sflag:$0x2] =	stream.indirect.gather [hbm4b:s3+s30], $0x80, s31, s30, $0xb8;
	[tilespmem:$0x15800] =	vst v63  }
.LBB2_2:
0x14: {  	_ =	swait.ge [sflag:s13], $0x3200  }
0x15: {  	p0 =	seq.s32 s22, $0x0;
	[sflag:s13] =	ssyncset.done $0x0  }
0x16: {  	s0 =	simm.s32 @!p0 $0x3;
	[sflag:s13] =	ssyncadd.s32 $0xFFFFCE00  }
0x17: {  	_ =	swait.ge @!p0 [sflag:s0], $0x3200  }
0x18: {  	[sflag:s0] =	ssyncset.done @!p0 $0x0  }
0x19: {  	s10 =	simm.s32 $0x8080;
	[sflag:s0] =	ssyncadd.s32 @!p0 $0xFFFFCE00  }
0x1a: {  	v0 =	vld [tilespmem:s10+$0x0];
	_ =	sdelay $0x3  }
0x1b: {  	v1 =	vld [tilespmem:s10+$0xFFFFFF80]  }
0x1c: {  	v0 =	vmul.f32 $8.000000000e+00, v0  }
0x1d: {  	s26 =	simm.s32 $0xE880;
	s30 =	simm.s32 $0x8180  }
0x1e: {  	[tilespmem:s26+$0x0] =	vst v0;
	v0 =	vld [tilespmem:s30+$0x0]  }
0x1f: {  	v2 =	vld [tilespmem:s10+$0x10]  }
0x20: {  	v1 =	vmul.f32 $8.000000000e+00, v1;
	_ =	sdelay $0x1  }
0x21: {  	[tilespmem:s26+$0xFFFFFF80] =	vst v1;
	v1 =	vld [tilespmem:s30+$0xFFFFFF80]  }
0x22: {  	v3 =	vld [tilespmem:s10+$0xFFFFFF90];
	v0 =	vmul.f32 $8.000000000e+00, v0  }
0x23: {  	s29 =	simm.s32 $0xE980;
	s31 =	simm.s32 $0x8280;
	v2 =	vmul.f32 $8.000000000e+00, v2  }
0x24: {  	[tilespmem:s29+$0x0] =	vst v0;
	v0 =	vld [tilespmem:s31+$0x0]  }
0x25: {  	[tilespmem:s26+$0x10] =	vst v2;
	v2 =	vld [tilespmem:s30+$0x10]  }
0x26: {  	v1 =	vmul.f32 $8.000000000e+00, v1;
	v4 =	vld [tilespmem:s10+$0x20]  }
0x27: {  	v3 =	vmul.f32 $8.000000000e+00, v3  }
0x28: {  	[tilespmem:s29+$0xFFFFFF80] =	vst v1;
	v1 =	vld [tilespmem:s31+$0xFFFFFF80]  }
0x29: {  	[tilespmem:s26+$0xFFFFFF90] =	vst v3;
	v3 =	vld [tilespmem:s30+$0xFFFFFF90];
	v0 =	vmul.f32 $8.000000000e+00, v0  }
0x2a: {  	s1 =	simm.s32 $0x8380;
	s0 =	simm.s32 $0xEA80;
	v5 =	vld [tilespmem:s10+$0xFFFFFFA0];
	v2 =	vmul.f32 $8.000000000e+00, v2  }
0x2b: {  	[tilespmem:s0+$0x0] =	vst v0;
	v0 =	vmul.f32 $8.000000000e+00, v4;
	v4 =	vld [tilespmem:s1+$0x0]  }
0x2c: {  	[tilespmem:s29+$0x10] =	vst v2;
	v6 =	vld [tilespmem:s31+$0x10]  }
0x2d: {  	v1 =	vmul.f32 $8.000000000e+00, v1;
	[tilespmem:s26+$0x20] =	vst v0;
	v7 =	vld [tilespmem:s30+$0x20]  }
0x2e: {  	v2 =	vmul.f32 $8.000000000e+00, v3;
	v0 =	vld [tilespmem:s10+$0x30]  }
0x2f: {  	[tilespmem:s0+$0xFFFFFF80] =	vst v1;
	v1 =	vmul.f32 $8.000000000e+00, v5;
	v3 =	vld [tilespmem:s1+$0xFFFFFF80]  }
0x30: {  	[tilespmem:s29+$0xFFFFFF90] =	vst v2;
	v5 =	vmul.f32 $8.000000000e+00, v4;
	v4 =	vld [tilespmem:s31+$0xFFFFFF90]  }
0x31: {  	s23 =	sshll.u32 s22, $0x2;
	s11 =	simm.s32 $0xEB80;
	s12 =	simm.s32 $0x6;
	[tilespmem:s26+$0xFFFFFFA0] =	vst v1;
	v2 =	vld [tilespmem:s30+$0xFFFFFFA0];
	v6 =	vmul.f32 $8.000000000e+00, v6  }
0x32: {  	s9 =	simm.s32 $0x8480;
	s24 =	sadd.s32 s6, s23;
	v1 =	vld [tilespmem:s10+$0xFFFFFFB0];
	s10 =	simm.s32 $0xEB80;
	[tilespmem:s11+$0x0] =	vst v5;
	v5 =	vmul.f32 $8.000000000e+00, v7  }
.LBB2_3:
0x33: {  	v7 =	vld [tilespmem:s9+$0x0];
	[tilespmem:s0+$0x10] =	vst v6;
	v0 =	vmul.f32 $8.000000000e+00, v0;
	s5 =	smov.u32 s30;
	s30 =	smov.u32 s31;
	s31 =	smov.u32 s1  }
0x34: {  	s1 =	smov.u32 s9;
	s12 =	sadd.s32 $0x2, s12;
	v3 =	vmul.f32 $8.000000000e+00, v3;
	v6 =	vld [tilespmem:s31+$0x10];
	[tilespmem:s29+$0x20] =	vst v5  }
0x35: {  	s28 =	simm.s32 $0x99B0;
	s25 =	simm.s32 $0x104B0;
	p1 =	slt.u32 s12, $0x30;
	v4 =	vmul.f32 $8.000000000e+00, v4;
	v5 =	vld [tilespmem:s30+$0x20];
	[tilespmem:s26+$0x30] =	vst v0  }
.Ltmp0:
0x36: {  	[tilespmem:s11+$0xFFFFFF80] =	vst v3;
	v2 =	vmul.f32 $8.000000000e+00, v2;
	v0 =	vld [tilespmem:s5+$0x30];
	(pc) =	sbr.rel @p1 .LBB2_3-.Ltmp0, $4  }
0x37: {  	v3 =	vld [tilespmem:s9+$0xFFFFFF80];
	[tilespmem:s0+$0xFFFFFF90] =	vst v4;
	v1 =	vmul.f32 $8.000000000e+00, v1  }
0x38: {  	v7 =	vmul.f32 $8.000000000e+00, v7;
	v4 =	vld [tilespmem:s31+$0xFFFFFF90];
	[tilespmem:s29+$0xFFFFFFA0] =	vst v2  }
0x39: {  	s11 =	sadd.s32 $0x100, s11;
	v6 =	vmul.f32 $8.000000000e+00, v6;
	v2 =	vld [tilespmem:s30+$0xFFFFFFA0];
	[tilespmem:s26+$0xFFFFFFB0] =	vst v1;
	s26 =	smov.u32 s29;
	s29 =	smov.u32 s0  }
0x3a: {  	s9 =	sadd.s32 $0x100, s9;
	s0 =	smov.u32 s10;
	s10 =	smov.u32 s11;
	[tilespmem:s11+$0x0] =	vst v7;
	v5 =	vmul.f32 $8.000000000e+00, v5;
	v1 =	vld [tilespmem:s5+$0xFFFFFFB0]  }
0x3b: {  	_ = 	snop  }
0x3c: {  	v3 =	vmul.f32 $8.000000000e+00, v3;
	_ =	sdelay $0x1  }
0x3d: {  	v7 =	vld [tilespmem:s1+$0x10];
	[tilespmem:s11+$0xFFFFFF80] =	vst v3  }
0x3e: {  	v3 =	vld [tilespmem:s1+$0xFFFFFF90];
	_ =	sdelay $0x2  }
0x3f: {  	v4 =	vmul.f32 $8.000000000e+00, v4  }
0x40: {  	[tilespmem:s0+$0x10] =	vst v6;
	v6 =	vmul.f32 $8.000000000e+00, v7  }
0x41: {  	[tilespmem:s0+$0xFFFFFF90] =	vst v4;
	v7 =	vld [tilespmem:s31+$0x20];
	v3 =	vmul.f32 $8.000000000e+00, v3  }
0x42: {  	v4 =	vld [tilespmem:s31+$0xFFFFFFA0];
	[tilespmem:s10+$0x10] =	vst v6  }
0x43: {  	v6 =	vld [tilespmem:s1+$0x20];
	[tilespmem:s10+$0xFFFFFF90] =	vst v3  }
0x44: {  	v3 =	vld [tilespmem:s1+$0xFFFFFFA0]  }
0x45: {  	v2 =	vmul.f32 $8.000000000e+00, v2  }
0x46: {  	[tilespmem:s29+$0x20] =	vst v5;
	v5 =	vmul.f32 $8.000000000e+00, v7  }
0x47: {  	[tilespmem:s29+$0xFFFFFFA0] =	vst v2;
	v2 =	vld [tilespmem:s30+$0x30];
	v4 =	vmul.f32 $8.000000000e+00, v4  }
0x48: {  	[tilespmem:s0+$0x20] =	vst v5;
	v5 =	vld [tilespmem:s30+$0xFFFFFFB0];
	v6 =	vmul.f32 $8.000000000e+00, v6  }
0x49: {  	[tilespmem:s0+$0xFFFFFFA0] =	vst v4;
	v4 =	vld [tilespmem:s31+$0x30];
	v3 =	vmul.f32 $8.000000000e+00, v3  }
0x4a: {  	v0 =	vmul.f32 $8.000000000e+00, v0;
	[tilespmem:s10+$0x20] =	vst v6;
	v6 =	vld [tilespmem:s31+$0xFFFFFFB0]  }
0x4b: {  	v1 =	vmul.f32 $8.000000000e+00, v1;
	[tilespmem:s10+$0xFFFFFFA0] =	vst v3;
	v3 =	vld [tilespmem:s1+$0x30]  }
0x4c: {  	[tilespmem:s26+$0x30] =	vst v0;
	v0 =	vmul.f32 $8.000000000e+00, v2;
	v2 =	vld [tilespmem:s1+$0xFFFFFFB0]  }
0x4d: {  	[tilespmem:s26+$0xFFFFFFB0] =	vst v1;
	v1 =	vmul.f32 $8.000000000e+00, v5  }
0x4e: {  	[tilespmem:s29+$0x30] =	vst v0;
	v0 =	vmul.f32 $8.000000000e+00, v4  }
0x4f: {  	[tilespmem:s29+$0xFFFFFFB0] =	vst v1;
	v1 =	vmul.f32 $8.000000000e+00, v6  }
0x50: {  	[tilespmem:s0+$0x30] =	vst v0;
	v0 =	vmul.f32 $8.000000000e+00, v3  }
0x51: {  	[tilespmem:s0+$0xFFFFFFB0] =	vst v1;
	v1 =	vmul.f32 $8.000000000e+00, v2  }
0x52: {  	[tilespmem:s10+$0x30] =	vst v0  }
0x53: {  	[tilespmem:s10+$0xFFFFFFB0] =	vst v1  }
0x54: {  	v0 =	vld [tilespmem:s28+$0xFFFFFFD0];
	_ =	sdelay $0x3  }
0x55: {  	v1 =	vld [tilespmem:s28+$0xFFFFFF50]  }
0x56: {  	v0 =	vmul.f32 $8.000000000e+00, v0  }
0x57: {  	s29 =	simm.s32 $0x9AB0  }
0x58: {  	[tilespmem:s25+$0xFFFFFFD0] =	vst v0;
	v0 =	vld [tilespmem:s29+$0xFFFFFFD0]  }
0x59: {  	v2 =	vld [tilespmem:s28+$0xFFFFFFE0]  }
0x5a: {  	v1 =	vmul.f32 $8.000000000e+00, v1;
	_ =	sdelay $0x1  }
0x5b: {  	[tilespmem:s25+$0xFFFFFF50] =	vst v1;
	v1 =	vld [tilespmem:s29+$0xFFFFFF50]  }
0x5c: {  	v3 =	vld [tilespmem:s28+$0xFFFFFF60];
	v0 =	vmul.f32 $8.000000000e+00, v0  }
0x5d: {  	s26 =	simm.s32 $0x105B0;
	s0 =	simm.s32 $0x9BB0;
	v2 =	vmul.f32 $8.000000000e+00, v2  }
0x5e: {  	[tilespmem:s26+$0xFFFFFFD0] =	vst v0;
	v0 =	vld [tilespmem:s0+$0xFFFFFFD0]  }
0x5f: {  	[tilespmem:s25+$0xFFFFFFE0] =	vst v2;
	v2 =	vld [tilespmem:s29+$0xFFFFFFE0]  }
0x60: {  	v1 =	vmul.f32 $8.000000000e+00, v1;
	v4 =	vld [tilespmem:s28+$0xFFFFFFF0]  }
0x61: {  	v3 =	vmul.f32 $8.000000000e+00, v3  }
0x62: {  	[tilespmem:s26+$0xFFFFFF50] =	vst v1;
	v1 =	vld [tilespmem:s0+$0xFFFFFF50]  }
0x63: {  	[tilespmem:s25+$0xFFFFFF60] =	vst v3;
	v3 =	vld [tilespmem:s29+$0xFFFFFF60];
	v0 =	vmul.f32 $8.000000000e+00, v0  }
0x64: {  	s30 =	simm.s32 $0x106B0;
	s1 =	simm.s32 $0x9CB0;
	v5 =	vld [tilespmem:s28+$0xFFFFFF70];
	v2 =	vmul.f32 $8.000000000e+00, v2  }
0x65: {  	[tilespmem:s30+$0xFFFFFFD0] =	vst v0;
	v0 =	vmul.f32 $8.000000000e+00, v4;
	v4 =	vld [tilespmem:s1+$0xFFFFFFD0]  }
0x66: {  	[tilespmem:s26+$0xFFFFFFE0] =	vst v2;
	v6 =	vld [tilespmem:s0+$0xFFFFFFE0]  }
0x67: {  	v1 =	vmul.f32 $8.000000000e+00, v1;
	[tilespmem:s25+$0xFFFFFFF0] =	vst v0;
	v7 =	vld [tilespmem:s29+$0xFFFFFFF0]  }
0x68: {  	v2 =	vmul.f32 $8.000000000e+00, v3;
	v0 =	vld [tilespmem:s28+$0x0]  }
0x69: {  	[tilespmem:s30+$0xFFFFFF50] =	vst v1;
	v1 =	vmul.f32 $8.000000000e+00, v5;
	v3 =	vld [tilespmem:s1+$0xFFFFFF50]  }
0x6a: {  	[tilespmem:s26+$0xFFFFFF60] =	vst v2;
	v5 =	vmul.f32 $8.000000000e+00, v4;
	v4 =	vld [tilespmem:s0+$0xFFFFFF60]  }
0x6b: {  	s10 =	simm.s32 $0x107B0;
	[tilespmem:s25+$0xFFFFFF70] =	vst v1;
	v2 =	vld [tilespmem:s29+$0xFFFFFF70];
	v6 =	vmul.f32 $8.000000000e+00, v6  }
0x6c: {  	s9 =	simm.s32 $0x9DB0;
	s11 =	simm.s32 $0x6;
	v1 =	vld [tilespmem:s28+$0xFFFFFF80];
	s28 =	simm.s32 $0x107B0;
	[tilespmem:s10+$0xFFFFFFD0] =	vst v5;
	v5 =	vmul.f32 $8.000000000e+00, v7  }
.LBB2_5:
0x6d: {  	v7 =	vld [tilespmem:s9+$0xFFFFFFD0];
	[tilespmem:s30+$0xFFFFFFE0] =	vst v6;
	v0 =	vmul.f32 $8.000000000e+00, v0;
	s5 =	smov.u32 s29;
	s29 =	smov.u32 s0;
	s0 =	smov.u32 s1  }
0x6e: {  	s1 =	smov.u32 s9;
	s11 =	sadd.s32 $0x2, s11;
	v3 =	vmul.f32 $8.000000000e+00, v3;
	v6 =	vld [tilespmem:s0+$0xFFFFFFE0];
	[tilespmem:s26+$0xFFFFFFF0] =	vst v5  }
0x6f: {  	p1 =	slt.u32 s11, $0x30;
	v4 =	vmul.f32 $8.000000000e+00, v4;
	v5 =	vld [tilespmem:s29+$0xFFFFFFF0];
	[tilespmem:s25+$0x0] =	vst v0  }
.Ltmp1:
0x70: {  	[tilespmem:s10+$0xFFFFFF50] =	vst v3;
	v2 =	vmul.f32 $8.000000000e+00, v2;
	v0 =	vld [tilespmem:s5+$0x0];
	(pc) =	sbr.rel @p1 .LBB2_5-.Ltmp1, $4  }
0x71: {  	v3 =	vld [tilespmem:s9+$0xFFFFFF50];
	[tilespmem:s30+$0xFFFFFF60] =	vst v4;
	v1 =	vmul.f32 $8.000000000e+00, v1  }
0x72: {  	v7 =	vmul.f32 $8.000000000e+00, v7;
	v4 =	vld [tilespmem:s0+$0xFFFFFF60];
	[tilespmem:s26+$0xFFFFFF70] =	vst v2  }
0x73: {  	s10 =	sadd.s32 $0x100, s10;
	v6 =	vmul.f32 $8.000000000e+00, v6;
	v2 =	vld [tilespmem:s29+$0xFFFFFF70];
	[tilespmem:s25+$0xFFFFFF80] =	vst v1;
	s25 =	smov.u32 s26;
	s26 =	smov.u32 s30  }
0x74: {  	s9 =	sadd.s32 $0x100, s9;
	s30 =	smov.u32 s28;
	s28 =	smov.u32 s10;
	[tilespmem:s10+$0xFFFFFFD0] =	vst v7;
	v5 =	vmul.f32 $8.000000000e+00, v5;
	v1 =	vld [tilespmem:s5+$0xFFFFFF80]  }
0x75: {  	_ = 	snop  }
0x76: {  	v3 =	vmul.f32 $8.000000000e+00, v3;
	_ =	sdelay $0x1  }
0x77: {  	v7 =	vld [tilespmem:s1+$0xFFFFFFE0];
	[tilespmem:s10+$0xFFFFFF50] =	vst v3  }
0x78: {  	v3 =	vld [tilespmem:s1+$0xFFFFFF60];
	_ =	sdelay $0x2  }
0x79: {  	v4 =	vmul.f32 $8.000000000e+00, v4  }
0x7a: {  	[tilespmem:s30+$0xFFFFFFE0] =	vst v6;
	v6 =	vmul.f32 $8.000000000e+00, v7  }
0x7b: {  	[tilespmem:s30+$0xFFFFFF60] =	vst v4;
	v7 =	vld [tilespmem:s0+$0xFFFFFFF0];
	v3 =	vmul.f32 $8.000000000e+00, v3  }
0x7c: {  	v4 =	vld [tilespmem:s0+$0xFFFFFF70];
	[tilespmem:s28+$0xFFFFFFE0] =	vst v6  }
0x7d: {  	v6 =	vld [tilespmem:s1+$0xFFFFFFF0];
	[tilespmem:s28+$0xFFFFFF60] =	vst v3  }
0x7e: {  	v3 =	vld [tilespmem:s1+$0xFFFFFF70]  }
0x7f: {  	v2 =	vmul.f32 $8.000000000e+00, v2  }
0x80: {  	[tilespmem:s26+$0xFFFFFFF0] =	vst v5;
	v5 =	vmul.f32 $8.000000000e+00, v7  }
0x81: {  	[tilespmem:s26+$0xFFFFFF70] =	vst v2;
	v2 =	vld [tilespmem:s29+$0x0];
	v4 =	vmul.f32 $8.000000000e+00, v4  }
0x82: {  	[tilespmem:s30+$0xFFFFFFF0] =	vst v5;
	v5 =	vld [tilespmem:s29+$0xFFFFFF80];
	v6 =	vmul.f32 $8.000000000e+00, v6  }
0x83: {  	[tilespmem:s30+$0xFFFFFF70] =	vst v4;
	v4 =	vld [tilespmem:s0+$0x0];
	v3 =	vmul.f32 $8.000000000e+00, v3  }
0x84: {  	v0 =	vmul.f32 $8.000000000e+00, v0;
	[tilespmem:s28+$0xFFFFFFF0] =	vst v6;
	v6 =	vld [tilespmem:s0+$0xFFFFFF80]  }
0x85: {  	v1 =	vmul.f32 $8.000000000e+00, v1;
	[tilespmem:s28+$0xFFFFFF70] =	vst v3;
	v3 =	vld [tilespmem:s1+$0x0]  }
0x86: {  	[tilespmem:s25+$0x0] =	vst v0;
	v0 =	vmul.f32 $8.000000000e+00, v2;
	v2 =	vld [tilespmem:s1+$0xFFFFFF80]  }
0x87: {  	[tilespmem:s25+$0xFFFFFF80] =	vst v1;
	v1 =	vmul.f32 $8.000000000e+00, v5  }
0x88: {  	[tilespmem:s26+$0x0] =	vst v0;
	v0 =	vmul.f32 $8.000000000e+00, v4  }
0x89: {  	[tilespmem:s26+$0xFFFFFF80] =	vst v1;
	v1 =	vmul.f32 $8.000000000e+00, v6  }
0x8a: {  	p1 =	seq.s32 s22, $0x7F;
	[tilespmem:s30+$0x0] =	vst v0;
	v0 =	vmul.f32 $8.000000000e+00, v3  }
0x8b: {  	s0 =	sshll.u32 @!p1 s22, $0x8;
	[tilespmem:s30+$0xFFFFFF80] =	vst v1;
	v1 =	vmul.f32 $8.000000000e+00, v2  }
0x8c: {  	s9 =	smul.u32 $0x380, s24;
	s25 =	sand.u32 @!p1 $0x3FFFFF00, s0;
	[tilespmem:s28+$0x0] =	vst v0  }
0x8d: {  	s5 =	simm.s32 @!p1 $0x8000;
	s0 =	sadd.s32 @!p1 $0x100, s25;
	s1 =	simm.s32 @!p1 $0x64;
	[tilespmem:s28+$0xFFFFFF80] =	vst v1  }
0x8e: {  	[tilespmem:s5], [sflag:$0x1] =	stream.indirect.gather @!p1 [hbm4b:s3+s1], $0x80, s0, s1, $0xb8;
	[tilespmem:$0x15800] =	vst v63  }
0x8f: {  	s9 =	sadd.s32 s4, s9  }
0x90: {  	[hbm4b:s9+s2] =	stream.linear.scatter [tilespmem:s14], [sflag:$0x3], $0x1900, $0x38;
	[tilespmem:$0x15800] =	vst v63  }
0x91: {  	s0 =	sadd.s32 $0x380, s9  }
0x92: {  	[hbm4b:s0+s2] =	stream.linear.scatter [tilespmem:s15], [sflag:$0x3], $0x1900, $0x38;
	[tilespmem:$0x15800] =	vst v63  }
0x93: {  	_ =	swait.ge [sflag:s16], $0x3200  }
0x94: {  	[sflag:s16] =	ssyncset.done $0x0  }
0x95: {  	s0 =	simm.s32 @!p0 $0x4;
	[sflag:s16] =	ssyncadd.s32 $0xFFFFCE00  }
0x96: {  	_ =	swait.ge @!p0 [sflag:s0], $0x3200  }
0x97: {  	[sflag:s0] =	ssyncset.done @!p0 $0x0  }
0x98: {  	s10 =	simm.s32 $0xB4B0;
	[sflag:s0] =	ssyncadd.s32 @!p0 $0xFFFFCE00  }
0x99: {  	v0 =	vld [tilespmem:s10+$0xFFFFFFD0];
	_ =	sdelay $0x3  }
0x9a: {  	v1 =	vld [tilespmem:s10+$0xFFFFFF50]  }
0x9b: {  	v0 =	vmul.f32 $8.000000000e+00, v0  }
0x9c: {  	s29 =	simm.s32 $0xB5B0;
	s26 =	simm.s32 $0x120B0  }
0x9d: {  	[tilespmem:s26+$0xFFFFFFD0] =	vst v0;
	v0 =	vld [tilespmem:s29+$0xFFFFFFD0]  }
0x9e: {  	v2 =	vld [tilespmem:s10+$0xFFFFFFE0]  }
0x9f: {  	v1 =	vmul.f32 $8.000000000e+00, v1;
	_ =	sdelay $0x1  }
0xa0: {  	[tilespmem:s26+$0xFFFFFF50] =	vst v1;
	v1 =	vld [tilespmem:s29+$0xFFFFFF50]  }
0xa1: {  	v3 =	vld [tilespmem:s10+$0xFFFFFF60];
	v0 =	vmul.f32 $8.000000000e+00, v0  }
0xa2: {  	s30 =	simm.s32 $0xB6B0;
	s28 =	simm.s32 $0x121B0;
	v2 =	vmul.f32 $8.000000000e+00, v2  }
0xa3: {  	[tilespmem:s28+$0xFFFFFFD0] =	vst v0;
	v0 =	vld [tilespmem:s30+$0xFFFFFFD0]  }
0xa4: {  	[tilespmem:s26+$0xFFFFFFE0] =	vst v2;
	v2 =	vld [tilespmem:s29+$0xFFFFFFE0]  }
0xa5: {  	v1 =	vmul.f32 $8.000000000e+00, v1;
	v4 =	vld [tilespmem:s10+$0xFFFFFFF0]  }
0xa6: {  	v3 =	vmul.f32 $8.000000000e+00, v3  }
0xa7: {  	[tilespmem:s28+$0xFFFFFF50] =	vst v1;
	v1 =	vld [tilespmem:s30+$0xFFFFFF50]  }
0xa8: {  	[tilespmem:s26+$0xFFFFFF60] =	vst v3;
	v3 =	vld [tilespmem:s29+$0xFFFFFF60];
	v0 =	vmul.f32 $8.000000000e+00, v0  }
0xa9: {  	s1 =	simm.s32 $0xB7B0;
	s0 =	simm.s32 $0x122B0;
	v5 =	vld [tilespmem:s10+$0xFFFFFF70];
	v2 =	vmul.f32 $8.000000000e+00, v2  }
0xaa: {  	[tilespmem:s0+$0xFFFFFFD0] =	vst v0;
	v0 =	vmul.f32 $8.000000000e+00, v4;
	v4 =	vld [tilespmem:s1+$0xFFFFFFD0]  }
0xab: {  	[tilespmem:s28+$0xFFFFFFE0] =	vst v2;
	v6 =	vld [tilespmem:s30+$0xFFFFFFE0]  }
0xac: {  	v1 =	vmul.f32 $8.000000000e+00, v1;
	[tilespmem:s26+$0xFFFFFFF0] =	vst v0;
	v7 =	vld [tilespmem:s29+$0xFFFFFFF0]  }
0xad: {  	v2 =	vmul.f32 $8.000000000e+00, v3;
	v0 =	vld [tilespmem:s10+$0x0]  }
0xae: {  	[tilespmem:s0+$0xFFFFFF50] =	vst v1;
	v1 =	vmul.f32 $8.000000000e+00, v5;
	v3 =	vld [tilespmem:s1+$0xFFFFFF50]  }
0xaf: {  	s31 =	sadd.s32 s23, s6;
	[tilespmem:s28+$0xFFFFFF60] =	vst v2;
	v5 =	vmul.f32 $8.000000000e+00, v4;
	v4 =	vld [tilespmem:s30+$0xFFFFFF60]  }
0xb0: {  	s24 =	simm.s32 $0x0;
	s11 =	simm.s32 $0x123B0;
	s12 =	simm.s32 $0x6;
	[tilespmem:s26+$0xFFFFFF70] =	vst v1;
	v2 =	vld [tilespmem:s29+$0xFFFFFF70];
	v6 =	vmul.f32 $8.000000000e+00, v6  }
0xb1: {  	s23 =	sadd.s32 $0x2, s31;
	s9 =	simm.s32 $0xB8B0;
	v1 =	vld [tilespmem:s10+$0xFFFFFF80];
	s10 =	simm.s32 $0x123B0;
	[tilespmem:s11+$0xFFFFFFD0] =	vst v5;
	v5 =	vmul.f32 $8.000000000e+00, v7  }
.LBB2_7:
0xb2: {  	v7 =	vld [tilespmem:s9+$0xFFFFFFD0];
	[tilespmem:s0+$0xFFFFFFE0] =	vst v6;
	v0 =	vmul.f32 $8.000000000e+00, v0;
	s5 =	smov.u32 s29;
	s29 =	smov.u32 s30;
	s30 =	smov.u32 s1  }
0xb3: {  	s1 =	smov.u32 s9;
	s12 =	sadd.s32 $0x2, s12;
	v3 =	vmul.f32 $8.000000000e+00, v3;
	v6 =	vld [tilespmem:s30+$0xFFFFFFE0];
	[tilespmem:s28+$0xFFFFFFF0] =	vst v5  }
0xb4: {  	p0 =	slt.u32 s12, $0x30;
	v4 =	vmul.f32 $8.000000000e+00, v4;
	v5 =	vld [tilespmem:s29+$0xFFFFFFF0];
	[tilespmem:s26+$0x0] =	vst v0  }
.Ltmp2:
0xb5: {  	[tilespmem:s11+$0xFFFFFF50] =	vst v3;
	v2 =	vmul.f32 $8.000000000e+00, v2;
	v0 =	vld [tilespmem:s5+$0x0];
	(pc) =	sbr.rel @p0 .LBB2_7-.Ltmp2, $4  }
0xb6: {  	v3 =	vld [tilespmem:s9+$0xFFFFFF50];
	[tilespmem:s0+$0xFFFFFF60] =	vst v4;
	v1 =	vmul.f32 $8.000000000e+00, v1  }
0xb7: {  	v7 =	vmul.f32 $8.000000000e+00, v7;
	v4 =	vld [tilespmem:s30+$0xFFFFFF60];
	[tilespmem:s28+$0xFFFFFF70] =	vst v2  }
0xb8: {  	s11 =	sadd.s32 $0x100, s11;
	v6 =	vmul.f32 $8.000000000e+00, v6;
	v2 =	vld [tilespmem:s29+$0xFFFFFF70];
	[tilespmem:s26+$0xFFFFFF80] =	vst v1;
	s26 =	smov.u32 s28;
	s28 =	smov.u32 s0  }
0xb9: {  	s9 =	sadd.s32 $0x100, s9;
	s0 =	smov.u32 s10;
	s10 =	smov.u32 s11;
	[tilespmem:s11+$0xFFFFFFD0] =	vst v7;
	v5 =	vmul.f32 $8.000000000e+00, v5;
	v1 =	vld [tilespmem:s5+$0xFFFFFF80]  }
0xba: {  	_ = 	snop  }
0xbb: {  	v3 =	vmul.f32 $8.000000000e+00, v3;
	_ =	sdelay $0x1  }
0xbc: {  	v7 =	vld [tilespmem:s1+$0xFFFFFFE0];
	[tilespmem:s11+$0xFFFFFF50] =	vst v3  }
0xbd: {  	v3 =	vld [tilespmem:s1+$0xFFFFFF60];
	_ =	sdelay $0x2  }
0xbe: {  	v4 =	vmul.f32 $8.000000000e+00, v4  }
0xbf: {  	[tilespmem:s0+$0xFFFFFFE0] =	vst v6;
	v6 =	vmul.f32 $8.000000000e+00, v7  }
0xc0: {  	[tilespmem:s0+$0xFFFFFF60] =	vst v4;
	v7 =	vld [tilespmem:s30+$0xFFFFFFF0];
	v3 =	vmul.f32 $8.000000000e+00, v3  }
0xc1: {  	v4 =	vld [tilespmem:s30+$0xFFFFFF70];
	[tilespmem:s10+$0xFFFFFFE0] =	vst v6  }
0xc2: {  	v6 =	vld [tilespmem:s1+$0xFFFFFFF0];
	[tilespmem:s10+$0xFFFFFF60] =	vst v3  }
0xc3: {  	v3 =	vld [tilespmem:s1+$0xFFFFFF70]  }
0xc4: {  	v2 =	vmul.f32 $8.000000000e+00, v2  }
0xc5: {  	[tilespmem:s28+$0xFFFFFFF0] =	vst v5;
	v5 =	vmul.f32 $8.000000000e+00, v7  }
0xc6: {  	[tilespmem:s28+$0xFFFFFF70] =	vst v2;
	v2 =	vld [tilespmem:s29+$0x0];
	v4 =	vmul.f32 $8.000000000e+00, v4  }
0xc7: {  	[tilespmem:s0+$0xFFFFFFF0] =	vst v5;
	v5 =	vld [tilespmem:s29+$0xFFFFFF80];
	v6 =	vmul.f32 $8.000000000e+00, v6  }
0xc8: {  	[tilespmem:s0+$0xFFFFFF70] =	vst v4;
	v4 =	vld [tilespmem:s30+$0x0];
	v3 =	vmul.f32 $8.000000000e+00, v3  }
0xc9: {  	v0 =	vmul.f32 $8.000000000e+00, v0;
	[tilespmem:s10+$0xFFFFFFF0] =	vst v6;
	v6 =	vld [tilespmem:s30+$0xFFFFFF80]  }
0xca: {  	v1 =	vmul.f32 $8.000000000e+00, v1;
	[tilespmem:s10+$0xFFFFFF70] =	vst v3;
	v3 =	vld [tilespmem:s1+$0x0]  }
0xcb: {  	[tilespmem:s26+$0x0] =	vst v0;
	v0 =	vmul.f32 $8.000000000e+00, v2;
	v2 =	vld [tilespmem:s1+$0xFFFFFF80]  }
0xcc: {  	[tilespmem:s26+$0xFFFFFF80] =	vst v1;
	v1 =	vmul.f32 $8.000000000e+00, v5  }
0xcd: {  	[tilespmem:s28+$0x0] =	vst v0;
	v0 =	vmul.f32 $8.000000000e+00, v4  }
0xce: {  	[tilespmem:s28+$0xFFFFFF80] =	vst v1;
	v1 =	vmul.f32 $8.000000000e+00, v6  }
0xcf: {  	[tilespmem:s0+$0x0] =	vst v0;
	v0 =	vmul.f32 $8.000000000e+00, v3  }
0xd0: {  	[tilespmem:s0+$0xFFFFFF80] =	vst v1;
	v1 =	vmul.f32 $8.000000000e+00, v2  }
0xd1: {  	[tilespmem:s10+$0x0] =	vst v0  }
0xd2: {  	s0 =	simm.s32 $0x0;
	[tilespmem:s10+$0xFFFFFF80] =	vst v1  }
0xd3: {  	v3 =	vld [tilespmem:s0+$0xCDB0]  }
0xd4: {  	v5 =	vld [tilespmem:s0+$0xCD00]  }
0xd5: {  	v4 =	vld [tilespmem:s0+$0xCD10]  }
0xd6: {  	v2 =	vld [tilespmem:s0+$0xCD20]  }
0xd7: {  	v1 =	vld [tilespmem:s0+$0xCD30]  }
0xd8: {  	v0 =	vld [tilespmem:s0+$0xCD80];
	v6 =	vmul.f32 $8.000000000e+00, v3  }
0xd9: {  	s1 =	simm.s32 $0x400;
	v5 =	vmul.f32 $8.000000000e+00, v5;
	v3 =	vld [tilespmem:s0+$0xCD90]  }
.LBB2_9:
0xda: {  	s5 =	sshra.s32 s1, $0x2;
	s24 =	sadd.s32 $0x2, s24;
	v4 =	vmul.f32 $8.000000000e+00, v4;
	v7 =	vld [tilespmem:s0+$0xCDA0];
	[tilespmem:s0+$0x13CB0] =	vst v6  }
0xdb: {  	v6 =	vld [tilespmem:s5+$0xCDB0];
	p0 =	slt.u32 s24, $0x30;
	[tilespmem:s0+$0x13C00] =	vst v5;
	v2 =	vmul.f32 $8.000000000e+00, v2  }
0xdc: {  	v5 =	vld [tilespmem:s5+$0xCD00];
	[tilespmem:s0+$0x13C10] =	vst v4;
	v1 =	vmul.f32 $8.000000000e+00, v1  }
.Ltmp3:
0xdd: {  	v4 =	vld [tilespmem:s5+$0xCD10];
	[tilespmem:s0+$0x13C20] =	vst v2;
	v0 =	vmul.f32 $8.000000000e+00, v0;
	(pc) =	sbr.rel @p0 .LBB2_9-.Ltmp3, $4  }
0xde: {  	v2 =	vld [tilespmem:s5+$0xCD20];
	[tilespmem:s0+$0x13C30] =	vst v1;
	v3 =	vmul.f32 $8.000000000e+00, v3  }
0xdf: {  	v1 =	vld [tilespmem:s5+$0xCD30];
	[tilespmem:s0+$0x13C80] =	vst v0;
	v7 =	vmul.f32 $8.000000000e+00, v7  }
0xe0: {  	v0 =	vld [tilespmem:s5+$0xCD80];
	v6 =	vmul.f32 $8.000000000e+00, v6;
	[tilespmem:s0+$0x13C90] =	vst v3  }
0xe1: {  	s1 =	sadd.s32 $0x400, s1;
	v5 =	vmul.f32 $8.000000000e+00, v5;
	v3 =	vld [tilespmem:s5+$0xCD90];
	[tilespmem:s0+$0x13CA0] =	vst v7;
	s0 =	smov.u32 s5  }
0xe2: {  	v7 =	vld [tilespmem:s0+$0xCDA0];
	v4 =	vmul.f32 $8.000000000e+00, v4;
	[tilespmem:s0+$0x13CB0] =	vst v6  }
0xe3: {  	[tilespmem:s0+$0x13C00] =	vst v5;
	v2 =	vmul.f32 $8.000000000e+00, v2  }
0xe4: {  	[tilespmem:s0+$0x13C10] =	vst v4;
	v1 =	vmul.f32 $8.000000000e+00, v1  }
0xe5: {  	[tilespmem:s0+$0x13C20] =	vst v2;
	v0 =	vmul.f32 $8.000000000e+00, v0  }
0xe6: {  	[tilespmem:s0+$0x13C30] =	vst v1;
	v62 =	vmul.f32 $8.000000000e+00, v3  }
0xe7: {  	[tilespmem:s0+$0x13C80] =	vst v0;
	v63 =	vmul.f32 $8.000000000e+00, v7  }
0xe8: {  	s1 =	sadd.s32 @!p1 $0x180, s25;
	s5 =	simm.s32 @!p1 $0xB400;
	s22 =	sadd.s32 $0x1, s22;
	[tilespmem:s0+$0x13C90] =	vst v62  }
0xe9: {  	s9 =	smul.u32 $0x380, s23;
	p0 =	sne.s32 s22, $0x80;
	[tilespmem:s0+$0x13CA0] =	vst v63;
	s0 =	simm.s32 @!p1 $0x64  }
0xea: {  	[tilespmem:s5], [sflag:$0x2] =	stream.indirect.gather @!p1 [hbm4b:s3+s0], $0x80, s1, s0, $0xb8;
	[tilespmem:$0x15800] =	vst v63  }
.Ltmp4:
0xeb: {  	_ = 	snop;
	(pc) =	sbr.rel @p0 .LBB2_2-.Ltmp4, $4  }
0xec: {  	s31 =	sadd.s32 s4, s9  }
0xed: {  	[hbm4b:s31+s2] =	stream.linear.scatter [tilespmem:s17], [sflag:$0x4], $0x1900, $0x38;
	[tilespmem:$0x15800] =	vst v63  }
0xee: {  	s0 =	sadd.s32 $0x380, s31  }
0xef: {  	[hbm4b:s0+s2] =	stream.linear.scatter [tilespmem:s18], [sflag:$0x4], $0x1900, $0x38;
	[tilespmem:$0x15800] =	vst v63  }
0xf0: {  	s21 =	sadd.s32 $0x1, s21  }
0xf1: {  	_ =	swait.ge [sflag:s19], $0x3200;
	p0 =	sne.s32 s21, s7  }
.Ltmp5:
0xf2: {  	[sflag:s19] =	ssyncset.done $0x0;
	(pc) =	sbr.rel @p0 .LBB2_1-.Ltmp5, $4  }
0xf3: {  	[sflag:s19] =	ssyncadd.s32 $0xFFFFCE00  }
0xf4: {  	_ =	swait.ge [sflag:s20], $0x3200  }
0xf5: {  	[sflag:s20] =	ssyncset.done $0x0  }
0xf6: {  	[sflag:s20] =	ssyncadd.s32 $0xFFFFCE00  }
0xf7: {  	_ =	sfence.sel $0x180000  }
0xf8: {  	[bflag:$0x0] =	sbarrier.arrive $0xFFFF  }
0xf9: {  	_ =	strace $0x90000047  }
0xfa: {  	s0 =	stileid.u32;
	[bflag:$0x2] =	sbarrier.arrive $0xFFFF  }
0xfb: {  	p0 =	sne.s32 s0, $0x0;
	s0 =	rddreg [dreg:$0x2]  }
0xfc: {  	s0 =	sadd.s32 @!p0 $0x100000, s0  }
0xfd: {  	[sflag:s0] =	ssyncadd.tile.s32 @!p0 $0x1;
	_ =	shalt  }
.Lfunc_end2:
_tile_overlayer_lowered:
.L_overlay_start_2:
0xfe: {  	(tag) =	ssettag $0x2  }
0xff: {  	s0 =	rddreg [dreg:$0x0];
	s2 =	stileid.u32  }
0x100: {  	s1 =	rddreg [dreg:$0x1];
	p0 =	sne.s32 s2, $0x0  }
0x101: {  	s3 =	rddreg [dreg:$0x2];
	[bflag:$0x3] =	sbarrier.arrive $0xFFFF;
	s2 =	simm.s32 @!p0 $0x1C05  }
0x102: {  	[timem:s3], [sflag:s2] =	dma.local @!p0 [hbm:s0], s1  }
0x103: {  	s0 =	simm.s32 @!p0 $0x5  }
0x104: {  	_ =	swait.ge @!p0 [sflag:s0], s1  }
0x105: {  	s1 =	ssub.s32 @!p0 $0x0, s1;
	[sflag:s0] =	ssyncset.done @!p0 $0x0  }
0x106: {  	[sflag:s0] =	ssyncadd.s32 @!p0 s1  }
0x107: {  	[bflag:$0x3] =	sbarrier.arrive $0xFFFF  }
0x108: {  	_ =	shalt  }

</sc_bundles>
